<compile_context>
chip_gen: v7x
topology: tpu7x:2x2x1
jax: 0.10.2.dev20260603
libtpu: 0.0.44.dev20260713+nightly
codegen_flags: <defaults>
</compile_context>

<pallas_src>
import functools

import jax
import jax.numpy as jnp
from jax import lax
from jax.experimental import pallas as pl
from jax.experimental.pallas import tpu as pltpu
from jax.experimental.pallas import tpu_sc as plsc

N = 10000
E = 320000
D = 128
NC = 2
NS = 16
NW = NC * NS
NP = 10240
RPT = NP // NS
EPT = E // NW
CHUNK = 80
NCHUNK = EPT // CHUNK
BR = 512
GRID = NP // BR

_mesh = plsc.VectorSubcoreMesh(
    core_axis_name="c", subcore_axis_name="s", num_cores=NC, num_subcores=NS)



@functools.partial(
    pl.kernel,
    out_type=jax.ShapeDtypeStruct((NW, NP), jnp.float32),
    mesh=_mesh,
    compiler_params=pltpu.CompilerParams(needs_layout_passes=False),
    scratch_types=[
        pltpu.VMEM((EPT,), jnp.int32),
        pltpu.VMEM((NP,), jnp.float32),
    ],
)
def _sc_degree(dst_hbm, zeros_hbm, out_hbm, didx, degv):
    c = lax.axis_index("c")
    s = lax.axis_index("s")
    wid = s * NC + c
    pltpu.sync_copy(zeros_hbm, degv)
    pltpu.sync_copy(dst_hbm.at[pl.ds(wid * EPT, EPT)], didx)
    ones = jnp.full((16,), 1.0, jnp.float32)

    def body(i, carry):
        idx = didx[pl.ds(i * 16, 16)]
        plsc.addupdate_scatter(degv, [idx], ones)
        return carry

    lax.fori_loop(0, EPT // 16, body, None)
    pltpu.sync_copy(degv, out_hbm.at[wid])



@functools.partial(
    pl.kernel,
    out_type=jax.ShapeDtypeStruct((NC, NP, D), jnp.float32),
    mesh=_mesh,
    scratch_types=[
        pltpu.VMEM((EPT,), jnp.int32),
        pltpu.VMEM((3, CHUNK), jnp.int32),
        pltpu.VMEM((3, CHUNK, D), jnp.float32),
        pltpu.VMEM_SHARED((NP, D), jnp.float32),
        pltpu.SemaphoreType.DMA((3,)),
        pltpu.SemaphoreType.DMA((3,)),
        pltpu.SemaphoreType.DMA((3,)),
    ],
)
def _sc_aggregate(src_hbm, dst_hbm, y_hbm, zeros_hbm, out_hbm,
                  sidx, didxr, rows, acc, gsem, dsem, ssem):
    c = lax.axis_index("c")
    s = lax.axis_index("s")
    wid = s * NC + c
    r0 = s * RPT
    e0 = wid * EPT

    @pl.when(c == 0)
    def _():
        pltpu.sync_copy(y_hbm.at[pl.ds(r0, RPT)], acc.at[pl.ds(r0, RPT)])

    @pl.when(c != 0)
    def _():
        pltpu.sync_copy(zeros_hbm.at[pl.ds(r0, RPT)], acc.at[pl.ds(r0, RPT)])

    pltpu.sync_copy(src_hbm.at[pl.ds(e0, EPT)], sidx)
    plsc.subcore_barrier()

    def fetch(j, q):
        off = j * CHUNK
        pltpu.async_copy(dst_hbm.at[pl.ds(e0 + off, CHUNK)], didxr.at[q],
                         dsem.at[q])
        pltpu.async_copy(y_hbm.at[sidx.at[pl.ds(off, CHUNK)]], rows.at[q],
                         gsem.at[q])

    fetch(0, 0)
    fetch(1, 1)

    def body(i, carry):
        p = lax.rem(i, 3)

        @pl.when(i + 2 < NCHUNK)
        def _():
            q = lax.rem(i + 2, 3)

            @pl.when(i >= 1)
            def _():
                pltpu.make_async_copy(rows.at[q], acc.at[didxr.at[q]],
                                      ssem.at[q]).wait()

            fetch(i + 2, q)

        pltpu.make_async_copy(dst_hbm.at[pl.ds(e0, CHUNK)], didxr.at[p],
                              dsem.at[p]).wait()
        pltpu.make_async_copy(y_hbm.at[sidx.at[pl.ds(0, CHUNK)]], rows.at[p],
                              gsem.at[p]).wait()
        pltpu.async_copy(rows.at[p], acc.at[didxr.at[p]], ssem.at[p],
                         add=True)
        return carry

    lax.fori_loop(0, NCHUNK, body, None)
    for k in range(NCHUNK - 3, NCHUNK):
        q = k % 3
        pltpu.make_async_copy(rows.at[q], acc.at[didxr.at[q]],
                              ssem.at[q]).wait()
    plsc.subcore_barrier()
    pltpu.sync_copy(acc.at[pl.ds(r0, RPT)], out_hbm.at[c, pl.ds(r0, RPT)])



def _dinv_block(dp_ref):
    deg = 1.0 + jnp.sum(dp_ref[...], axis=0)[:, None]
    return lax.rsqrt(deg)


def _prep_body(x_ref, w_ref, dp_ref, y_ref):
    dinv = _dinv_block(dp_ref)
    y_ref[...] = jnp.dot(x_ref[...], w_ref[...],
                         preferred_element_type=jnp.float32) * dinv


def _tc_prep(x, W1, degp):
    return pl.pallas_call(
        _prep_body,
        grid=(GRID,),
        in_specs=[
            pl.BlockSpec((BR, D), lambda i: (i, 0)),
            pl.BlockSpec((D, D), lambda i: (0, 0)),
            pl.BlockSpec((NW, BR), lambda i: (0, i)),
        ],
        out_specs=pl.BlockSpec((BR, D), lambda i: (i, 0)),
        out_shape=jax.ShapeDtypeStruct((NP, D), jnp.float32),
    )(x, W1, degp)


def _mid_body(z_ref, dp_ref, b_ref, w_ref, y_ref):
    dinv = _dinv_block(dp_ref)
    h = jax.nn.relu(dinv * (z_ref[0] + z_ref[1]) + b_ref[...])
    y_ref[...] = jnp.dot(h, w_ref[...],
                         preferred_element_type=jnp.float32) * dinv


def _tc_mid(z1, degp, b1, W2):
    return pl.pallas_call(
        _mid_body,
        grid=(GRID,),
        in_specs=[
            pl.BlockSpec((NC, BR, D), lambda i: (0, i, 0)),
            pl.BlockSpec((NW, BR), lambda i: (0, i)),
            pl.BlockSpec((1, D), lambda i: (0, 0)),
            pl.BlockSpec((D, D), lambda i: (0, 0)),
        ],
        out_specs=pl.BlockSpec((BR, D), lambda i: (i, 0)),
        out_shape=jax.ShapeDtypeStruct((NP, D), jnp.float32),
    )(z1, degp, b1, W2)


def _final_body(z_ref, dp_ref, b_ref, o_ref):
    dinv = _dinv_block(dp_ref)
    o_ref[...] = dinv * (z_ref[0] + z_ref[1]) + b_ref[...]


def _tc_final(z2, degp, b2):
    return pl.pallas_call(
        _final_body,
        grid=(GRID,),
        in_specs=[
            pl.BlockSpec((NC, BR, D), lambda i: (0, i, 0)),
            pl.BlockSpec((NW, BR), lambda i: (0, i)),
            pl.BlockSpec((1, D), lambda i: (0, 0)),
        ],
        out_specs=pl.BlockSpec((BR, D), lambda i: (i, 0)),
        out_shape=jax.ShapeDtypeStruct((NP, D), jnp.float32),
    )(z2, degp, b2)


def kernel(inputs, edge_index, W1, b1, W2, b2):
    src = edge_index[0].astype(jnp.int32)
    dst = edge_index[1].astype(jnp.int32)
    zerosNP = jnp.zeros((NP,), jnp.float32)
    zerosD = jnp.zeros((NP, D), jnp.float32)
    b1r = b1.reshape(1, D)
    b2r = b2.reshape(1, D)

    degp = _sc_degree(dst, zerosNP)
    y1 = _tc_prep(inputs, W1, degp)
    z1 = _sc_aggregate(src, dst, y1, zerosD)
    y2 = _tc_mid(z1, degp, b1r, W2)
    z2 = _sc_aggregate(src, dst, y2, zerosD)
    out = _tc_final(z2, degp, b2r)
    return out[:N]

# --- scband reference (transcript-rebuilt; emitter-appended) ---
"""Pipeline reference for scband-gcn-62801011802129 (READ-ONLY COPY).

The authoritative reference and input builder live on the scoring server;
editing this copy changes nothing except your own understanding.
"""

import jax, jax.numpy as jnp
import numpy as np

N = 10000
E = 320000
D_IN = 128
D_HID = 128
D_OUT = 128


def _gcn_layer(x, src, dst, dinv, W, b):
    # DGL GraphConv with norm='both': D^{-1/2} A D^{-1/2} X W + b
    h = x * dinv[:, None]
    agg = jnp.zeros((x.shape[0], h.shape[1]), x.dtype).at[dst].add(h[src])
    agg = agg * dinv[:, None]
    return agg @ W + b


def setup_inputs(seed: int = 0) -> dict:
    key = jax.random.key(seed)
    k1, k2, k3, k4, k5, k6 = jax.random.split(key, 6)
    inputs = jax.random.normal(k1, (N, D_IN), dtype=jnp.float32)
    edge_index = jax.random.randint(k2, (2, E), 0, N).astype(jnp.int64)
    W1 = jax.random.normal(k3, (D_IN, D_HID), dtype=jnp.float32) * 0.05
    b1 = jnp.zeros((D_HID,), dtype=jnp.float32)
    W2 = jax.random.normal(k4, (D_HID, D_OUT), dtype=jnp.float32) * 0.05
    b2 = jnp.zeros((D_OUT,), dtype=jnp.float32)
    return {"inputs": inputs, "edge_index": edge_index, "W1": W1, "b1": b1, "W2": W2, "b2": b2}


def reference(inputs, edge_index, W1, b1, W2, b2):
    n = inputs.shape[0]
    # dgl.add_self_loop(g)
    loops = jnp.arange(n, dtype=edge_index.dtype)
    src = jnp.concatenate([edge_index[0], loops])
    dst = jnp.concatenate([edge_index[1], loops])
    # symmetric degree normalization (in-degree with self loops)
    deg = jnp.zeros((n,), inputs.dtype).at[dst].add(1.0)
    dinv = jnp.where(deg > 0, 1.0 / jnp.sqrt(deg), 0.0)
    h = _gcn_layer(inputs, src, dst, dinv, W1, b1)
    h = jax.nn.relu(h)
    h = _gcn_layer(h, src, dst, dinv, W2, b2)
    return h

if __name__ == "__main__":
    import jax
    _d = setup_inputs()
    print(jax.jit(kernel)(*tuple(_d.values())))

</pallas_src>

<mosaic_0001>
#map = affine_map<(d0, d1) -> (0)>
#map1 = affine_map<(d0, d1) -> (0, 0)>
#map2 = affine_map<(d0, d1) -> (0, 0, 0)>
module attributes {stable_mosaic.version = 14 : i64} {
  func.func @_sc_aggregate(%arg0: i32, %arg1: i32, %arg2: memref<320000xi32, #tpu.memory_space<hbm>>, %arg3: memref<320000xi32, #tpu.memory_space<hbm>>, %arg4: memref<10240x128xf32, #tpu.memory_space<hbm>>, %arg5: memref<10240x128xf32, #tpu.memory_space<hbm>>, %arg6: memref<2x10240x128xf32, #tpu.memory_space<hbm>>, %arg7: memref<10000xi32, #tpu.memory_space<vmem>>, %arg8: memref<3x80xi32, #tpu.memory_space<vmem>>, %arg9: memref<3x80x128xf32, #tpu.memory_space<vmem>>, %arg10: memref<10240x128xf32, #tpu.memory_space<vmem_shared>>, %arg11: memref<3x!tpu.dma_semaphore, #tpu.memory_space<semaphore_mem>>, %arg12: memref<3x!tpu.dma_semaphore, #tpu.memory_space<semaphore_mem>>, %arg13: memref<3x!tpu.dma_semaphore, #tpu.memory_space<semaphore_mem>>) attributes {dimension_semantics = [#tpu.dimension_semantics<core_parallel>, #tpu.dimension_semantics<subcore_parallel>], iteration_bounds = array<i64: 2, 16>, scalar_prefetch = 0 : i64, scratch_operands = 7 : i64, tpu.core_type = #tpu.core_type<sc_vector_subcore>, window_params = [{transform_indices = #map}, {transform_indices = #map}, {transform_indices = #map1}, {transform_indices = #map1}, {transform_indices = #map2}]} {
    %mul3A = arith.constant 2 : i32
    %mul3A_0 = arith.muli %arg1, %mul3A : i32
    %add3A = arith.addi %mul3A_0, %arg0 : i32
    %mul3A_1 = arith.constant 640 : i32
    %mul3A_2 = arith.muli %arg1, %mul3A_1 : i32
    %mul3A_3 = arith.constant 10000 : i32
    %mul3A_4 = arith.muli %add3A, %mul3A_3 : i32
    %eq3A = arith.constant 0 : i32
    %eq3A_5 = arith.cmpi eq, %arg0, %eq3A : i32
    %convert_element_type3A = arith.extui %eq3A_5 : i1 to i32
    %cond3A = arith.constant 0 : i32
    %cond3A_6 = arith.cmpi ne, %convert_element_type3A, %cond3A : i32
    scf.if %cond3A_6 {
      "tpu.region"() ({
        %run_scoped3A = tpu.sem_alloc : memref<!tpu.dma_semaphore, #tpu.memory_space<semaphore_mem>>
        %dma_start3A_113 = arith.constant 0 : i32
        %dma_start3A_114 = tpu.memref_slice %arg10[%mul3A_2, %dma_start3A_113] : memref<10240x128xf32, #tpu.memory_space<vmem_shared>> -> memref<640x128xf32, #tpu.memory_space<vmem_shared>>
        %dma_start3A_115 = arith.constant 0 : i32
        %dma_start3A_116 = tpu.memref_slice %arg4[%mul3A_2, %dma_start3A_115] : memref<10240x128xf32, #tpu.memory_space<hbm>> -> memref<640x128xf32, #tpu.memory_space<hbm>>
        tpu.enqueue_dma source(%dma_start3A_116 : memref<640x128xf32, #tpu.memory_space<hbm>>) target(%dma_start3A_114 : memref<640x128xf32, #tpu.memory_space<vmem_shared>>) target_semaphore(%run_scoped3A : memref<!tpu.dma_semaphore, #tpu.memory_space<semaphore_mem>>)
        %dma_wait3A_117 = arith.constant 0 : i32
        %dma_wait3A_118 = tpu.memref_slice %arg10[%mul3A_2, %dma_wait3A_117] : memref<10240x128xf32, #tpu.memory_space<vmem_shared>> -> memref<640x128xf32, #tpu.memory_space<vmem_shared>>
        %dma_wait3A_119 = arith.constant 0 : i32
        %dma_wait3A_120 = tpu.memref_slice %arg4[%mul3A_2, %dma_wait3A_119] : memref<10240x128xf32, #tpu.memory_space<hbm>> -> memref<640x128xf32, #tpu.memory_space<hbm>>
        tpu.wait_dma2 semaphore(%run_scoped3A : memref<!tpu.dma_semaphore, #tpu.memory_space<semaphore_mem>>) src(%dma_wait3A_120 : memref<640x128xf32, #tpu.memory_space<hbm>>) dst(%dma_wait3A_118 : memref<640x128xf32, #tpu.memory_space<vmem_shared>>)
        tpu.yield
      }) : () -> ()
    } else {
    }
    %ne3A = arith.constant 0 : i32
    %ne3A_7 = arith.cmpi ne, %arg0, %ne3A : i32
    %convert_element_type3A_8 = arith.extui %ne3A_7 : i1 to i32
    %cond3A_9 = arith.constant 0 : i32
    %cond3A_10 = arith.cmpi ne, %convert_element_type3A_8, %cond3A_9 : i32
    scf.if %cond3A_10 {
      "tpu.region"() ({
        %run_scoped3A = tpu.sem_alloc : memref<!tpu.dma_semaphore, #tpu.memory_space<semaphore_mem>>
        %dma_start3A_113 = arith.constant 0 : i32
        %dma_start3A_114 = tpu.memref_slice %arg10[%mul3A_2, %dma_start3A_113] : memref<10240x128xf32, #tpu.memory_space<vmem_shared>> -> memref<640x128xf32, #tpu.memory_space<vmem_shared>>
        %dma_start3A_115 = arith.constant 0 : i32
        %dma_start3A_116 = tpu.memref_slice %arg5[%mul3A_2, %dma_start3A_115] : memref<10240x128xf32, #tpu.memory_space<hbm>> -> memref<640x128xf32, #tpu.memory_space<hbm>>
        tpu.enqueue_dma source(%dma_start3A_116 : memref<640x128xf32, #tpu.memory_space<hbm>>) target(%dma_start3A_114 : memref<640x128xf32, #tpu.memory_space<vmem_shared>>) target_semaphore(%run_scoped3A : memref<!tpu.dma_semaphore, #tpu.memory_space<semaphore_mem>>)
        %dma_wait3A_117 = arith.constant 0 : i32
        %dma_wait3A_118 = tpu.memref_slice %arg10[%mul3A_2, %dma_wait3A_117] : memref<10240x128xf32, #tpu.memory_space<vmem_shared>> -> memref<640x128xf32, #tpu.memory_space<vmem_shared>>
        %dma_wait3A_119 = arith.constant 0 : i32
        %dma_wait3A_120 = tpu.memref_slice %arg5[%mul3A_2, %dma_wait3A_119] : memref<10240x128xf32, #tpu.memory_space<hbm>> -> memref<640x128xf32, #tpu.memory_space<hbm>>
        tpu.wait_dma2 semaphore(%run_scoped3A : memref<!tpu.dma_semaphore, #tpu.memory_space<semaphore_mem>>) src(%dma_wait3A_120 : memref<640x128xf32, #tpu.memory_space<hbm>>) dst(%dma_wait3A_118 : memref<640x128xf32, #tpu.memory_space<vmem_shared>>)
        tpu.yield
      }) : () -> ()
    } else {
    }
    "tpu.region"() ({
      %run_scoped3A = tpu.sem_alloc : memref<!tpu.dma_semaphore, #tpu.memory_space<semaphore_mem>>
      %dma_start3A_113 = tpu.memref_slice %arg2[%mul3A_4] : memref<320000xi32, #tpu.memory_space<hbm>> -> memref<10000xi32, #tpu.memory_space<hbm>>
      %dma_start3A_114 = tpu.memref_slice %arg2[%mul3A_4] : memref<320000xi32, #tpu.memory_space<hbm>> -> memref<10000xi32, #tpu.memory_space<hbm>>
      tpu.enqueue_dma source(%dma_start3A_114 : memref<10000xi32, #tpu.memory_space<hbm>>) target(%arg7 : memref<10000xi32, #tpu.memory_space<vmem>>) target_semaphore(%run_scoped3A : memref<!tpu.dma_semaphore, #tpu.memory_space<semaphore_mem>>)
      %dma_wait3A_115 = tpu.memref_slice %arg2[%mul3A_4] : memref<320000xi32, #tpu.memory_space<hbm>> -> memref<10000xi32, #tpu.memory_space<hbm>>
      %dma_wait3A_116 = tpu.memref_slice %arg2[%mul3A_4] : memref<320000xi32, #tpu.memory_space<hbm>> -> memref<10000xi32, #tpu.memory_space<hbm>>
      tpu.wait_dma2 semaphore(%run_scoped3A : memref<!tpu.dma_semaphore, #tpu.memory_space<semaphore_mem>>) src(%dma_wait3A_116 : memref<10000xi32, #tpu.memory_space<hbm>>) dst(%arg7 : memref<10000xi32, #tpu.memory_space<vmem>>)
      tpu.yield
    }) : () -> ()
    %barrier3A = arith.constant 0 : index
    tpu.barrier barrier_id(%barrier3A)
    %add3A_11 = arith.constant 0 : i32
    %add3A_12 = arith.addi %mul3A_4, %add3A_11 : i32
    %dma_start3A = arith.constant 0 : i32
    %dma_start3A_13 = arith.constant 0 : i32
    %dma_start3A_14 = arith.constant 0 : i32
    %dma_start3A_15 = tpu.memref_slice %arg8[%dma_start3A, %dma_start3A_14] : memref<3x80xi32, #tpu.memory_space<vmem>> -> memref<1x80xi32, #tpu.memory_space<vmem>>
    %dma_start3A_16 = tpu.memref_squeeze %dma_start3A_15 : memref<1x80xi32, #tpu.memory_space<vmem>> -> memref<80xi32, #tpu.memory_space<vmem>>
    %dma_start3A_17 = tpu.memref_slice %arg3[%add3A_12] : memref<320000xi32, #tpu.memory_space<hbm>> -> memref<80xi32, #tpu.memory_space<hbm>>
    %dma_start3A_18 = tpu.memref_slice %arg12[%dma_start3A_13] : memref<3x!tpu.dma_semaphore, #tpu.memory_space<semaphore_mem>> -> memref<1x!tpu.dma_semaphore, #tpu.memory_space<semaphore_mem>>
    %dma_start3A_19 = tpu.memref_squeeze %dma_start3A_18 : memref<1x!tpu.dma_semaphore, #tpu.memory_space<semaphore_mem>> -> memref<!tpu.dma_semaphore, #tpu.memory_space<semaphore_mem>>
    %dma_start3A_20 = arith.constant 0 : i32
    %dma_start3A_21 = tpu.memref_slice %arg8[%dma_start3A, %dma_start3A_20] : memref<3x80xi32, #tpu.memory_space<vmem>> -> memref<1x80xi32, #tpu.memory_space<vmem>>
    %dma_start3A_22 = tpu.memref_squeeze %dma_start3A_21 : memref<1x80xi32, #tpu.memory_space<vmem>> -> memref<80xi32, #tpu.memory_space<vmem>>
    %dma_start3A_23 = tpu.memref_slice %arg3[%add3A_12] : memref<320000xi32, #tpu.memory_space<hbm>> -> memref<80xi32, #tpu.memory_space<hbm>>
    tpu.enqueue_dma source(%dma_start3A_23 : memref<80xi32, #tpu.memory_space<hbm>>) target(%dma_start3A_22 : memref<80xi32, #tpu.memory_space<vmem>>) target_semaphore(%dma_start3A_19 : memref<!tpu.dma_semaphore, #tpu.memory_space<semaphore_mem>>)
    %dma_start3A_24 = arith.constant 0 : i32
    %dma_start3A_25 = arith.constant 0 : i32
    %dma_start3A_26 = arith.constant 0 : i32
    %dma_start3A_27 = arith.constant 0 : i32
    %dma_start3A_28 = tpu.memref_slice %arg9[%dma_start3A_24, %dma_start3A_26, %dma_start3A_27] : memref<3x80x128xf32, #tpu.memory_space<vmem>> -> memref<1x80x128xf32, #tpu.memory_space<vmem>>
    %dma_start3A_29 = tpu.memref_squeeze %dma_start3A_28 : memref<1x80x128xf32, #tpu.memory_space<vmem>> -> memref<80x128xf32, #tpu.memory_space<vmem>>
    %dma_start3A_30 = arith.constant 0 : i32
    %dma_start3A_31 = tpu.memref_slice %arg7[%dma_start3A_30] : memref<10000xi32, #tpu.memory_space<vmem>> -> memref<80xi32, #tpu.memory_space<vmem>>
    %dma_start3A_32 = arith.constant 0 : i32
    %dma_start3A_33 = arith.constant 0 : i32
    %dma_start3A_34 = tpu.memref_slice %arg4[%dma_start3A_32, %dma_start3A_33] : memref<10240x128xf32, #tpu.memory_space<hbm>> -> memref<10240x128xf32, #tpu.memory_space<hbm>>
    %dma_start3A_35 = tpu.memref_slice %arg11[%dma_start3A_25] : memref<3x!tpu.dma_semaphore, #tpu.memory_space<semaphore_mem>> -> memref<1x!tpu.dma_semaphore, #tpu.memory_space<semaphore_mem>>
    %dma_start3A_36 = tpu.memref_squeeze %dma_start3A_35 : memref<1x!tpu.dma_semaphore, #tpu.memory_space<semaphore_mem>> -> memref<!tpu.dma_semaphore, #tpu.memory_space<semaphore_mem>>
    tpu.enqueue_indirect_dma source(%dma_start3A_34 : memref<10240x128xf32, #tpu.memory_space<hbm>>) target(%dma_start3A_29 : memref<80x128xf32, #tpu.memory_space<vmem>>) offsets(%dma_start3A_31 : memref<80xi32, #tpu.memory_space<vmem>>) semaphore(%dma_start3A_36 : memref<!tpu.dma_semaphore, #tpu.memory_space<semaphore_mem>>)
    %add3A_37 = arith.constant 80 : i32
    %add3A_38 = arith.addi %mul3A_4, %add3A_37 : i32
    %dma_start3A_39 = arith.constant 1 : i32
    %dma_start3A_40 = arith.constant 1 : i32
    %dma_start3A_41 = arith.constant 0 : i32
    %dma_start3A_42 = tpu.memref_slice %arg8[%dma_start3A_39, %dma_start3A_41] : memref<3x80xi32, #tpu.memory_space<vmem>> -> memref<1x80xi32, #tpu.memory_space<vmem>>
    %dma_start3A_43 = tpu.memref_squeeze %dma_start3A_42 : memref<1x80xi32, #tpu.memory_space<vmem>> -> memref<80xi32, #tpu.memory_space<vmem>>
    %dma_start3A_44 = tpu.memref_slice %arg3[%add3A_38] : memref<320000xi32, #tpu.memory_space<hbm>> -> memref<80xi32, #tpu.memory_space<hbm>>
    %dma_start3A_45 = tpu.memref_slice %arg12[%dma_start3A_40] : memref<3x!tpu.dma_semaphore, #tpu.memory_space<semaphore_mem>> -> memref<1x!tpu.dma_semaphore, #tpu.memory_space<semaphore_mem>>
    %dma_start3A_46 = tpu.memref_squeeze %dma_start3A_45 : memref<1x!tpu.dma_semaphore, #tpu.memory_space<semaphore_mem>> -> memref<!tpu.dma_semaphore, #tpu.memory_space<semaphore_mem>>
    %dma_start3A_47 = arith.constant 0 : i32
    %dma_start3A_48 = tpu.memref_slice %arg8[%dma_start3A_39, %dma_start3A_47] : memref<3x80xi32, #tpu.memory_space<vmem>> -> memref<1x80xi32, #tpu.memory_space<vmem>>
    %dma_start3A_49 = tpu.memref_squeeze %dma_start3A_48 : memref<1x80xi32, #tpu.memory_space<vmem>> -> memref<80xi32, #tpu.memory_space<vmem>>
    %dma_start3A_50 = tpu.memref_slice %arg3[%add3A_38] : memref<320000xi32, #tpu.memory_space<hbm>> -> memref<80xi32, #tpu.memory_space<hbm>>
    tpu.enqueue_dma source(%dma_start3A_50 : memref<80xi32, #tpu.memory_space<hbm>>) target(%dma_start3A_49 : memref<80xi32, #tpu.memory_space<vmem>>) target_semaphore(%dma_start3A_46 : memref<!tpu.dma_semaphore, #tpu.memory_space<semaphore_mem>>)
    %dma_start3A_51 = arith.constant 1 : i32
    %dma_start3A_52 = arith.constant 1 : i32
    %dma_start3A_53 = arith.constant 0 : i32
    %dma_start3A_54 = arith.constant 0 : i32
    %dma_start3A_55 = tpu.memref_slice %arg9[%dma_start3A_51, %dma_start3A_53, %dma_start3A_54] : memref<3x80x128xf32, #tpu.memory_space<vmem>> -> memref<1x80x128xf32, #tpu.memory_space<vmem>>
    %dma_start3A_56 = tpu.memref_squeeze %dma_start3A_55 : memref<1x80x128xf32, #tpu.memory_space<vmem>> -> memref<80x128xf32, #tpu.memory_space<vmem>>
    %dma_start3A_57 = arith.constant 80 : i32
    %dma_start3A_58 = tpu.memref_slice %arg7[%dma_start3A_57] : memref<10000xi32, #tpu.memory_space<vmem>> -> memref<80xi32, #tpu.memory_space<vmem>>
    %dma_start3A_59 = arith.constant 0 : i32
    %dma_start3A_60 = arith.constant 0 : i32
    %dma_start3A_61 = tpu.memref_slice %arg4[%dma_start3A_59, %dma_start3A_60] : memref<10240x128xf32, #tpu.memory_space<hbm>> -> memref<10240x128xf32, #tpu.memory_space<hbm>>
    %dma_start3A_62 = tpu.memref_slice %arg11[%dma_start3A_52] : memref<3x!tpu.dma_semaphore, #tpu.memory_space<semaphore_mem>> -> memref<1x!tpu.dma_semaphore, #tpu.memory_space<semaphore_mem>>
    %dma_start3A_63 = tpu.memref_squeeze %dma_start3A_62 : memref<1x!tpu.dma_semaphore, #tpu.memory_space<semaphore_mem>> -> memref<!tpu.dma_semaphore, #tpu.memory_space<semaphore_mem>>
    tpu.enqueue_indirect_dma source(%dma_start3A_61 : memref<10240x128xf32, #tpu.memory_space<hbm>>) target(%dma_start3A_56 : memref<80x128xf32, #tpu.memory_space<vmem>>) offsets(%dma_start3A_58 : memref<80xi32, #tpu.memory_space<vmem>>) semaphore(%dma_start3A_63 : memref<!tpu.dma_semaphore, #tpu.memory_space<semaphore_mem>>)
    %scan3A = arith.constant 0 : i32
    %scan3A_64 = arith.constant 125 : i32
    %scan3A_65 = arith.addi %scan3A, %scan3A_64 : i32
    %scan3A_66 = arith.constant 1 : i32
    scf.for %scan3A_113 = %scan3A to %scan3A_65 step %scan3A_66  : i32 {
      %rem3A = arith.constant 3 : i32
      %rem3A_114 = arith.remsi %scan3A_113, %rem3A : i32
      %add3A_115 = arith.constant 2 : i32
      %add3A_116 = arith.addi %scan3A_113, %add3A_115 : i32
      %lt3A = arith.constant 125 : i32
      %lt3A_117 = arith.cmpi slt, %add3A_116, %lt3A : i32
      %convert_element_type3A_118 = arith.extui %lt3A_117 : i1 to i32
      %cond3A_119 = arith.constant 0 : i32
      %cond3A_120 = arith.cmpi ne, %convert_element_type3A_118, %cond3A_119 : i32
      scf.if %cond3A_120 {
        %add3A_154 = arith.constant 2 : i32
        %add3A_155 = arith.addi %scan3A_113, %add3A_154 : i32
        %rem3A_156 = arith.constant 3 : i32
        %rem3A_157 = arith.remsi %add3A_155, %rem3A_156 : i32
        %ge3A = arith.constant 1 : i32
        %ge3A_158 = arith.cmpi sge, %scan3A_113, %ge3A : i32
        %convert_element_type3A_159 = arith.extui %ge3A_158 : i1 to i32
        %cond3A_160 = arith.constant 0 : i32
        %cond3A_161 = arith.cmpi ne, %convert_element_type3A_159, %cond3A_160 : i32
        scf.if %cond3A_161 {
          %dma_wait3A_187 = arith.constant 0 : i32
          %dma_wait3A_188 = arith.constant 0 : i32
          %dma_wait3A_189 = tpu.memref_slice %arg9[%rem3A_157, %dma_wait3A_187, %dma_wait3A_188] : memref<3x80x128xf32, #tpu.memory_space<vmem>> -> memref<1x80x128xf32, #tpu.memory_space<vmem>>
          %dma_wait3A_190 = tpu.memref_squeeze %dma_wait3A_189 : memref<1x80x128xf32, #tpu.memory_space<vmem>> -> memref<80x128xf32, #tpu.memory_space<vmem>>
          %dma_wait3A_191 = arith.constant 0 : i32
          %dma_wait3A_192 = tpu.memref_slice %arg8[%rem3A_157, %dma_wait3A_191] : memref<3x80xi32, #tpu.memory_space<vmem>> -> memref<1x80xi32, #tpu.memory_space<vmem>>
          %dma_wait3A_193 = tpu.memref_squeeze %dma_wait3A_192 : memref<1x80xi32, #tpu.memory_space<vmem>> -> memref<80xi32, #tpu.memory_space<vmem>>
          %dma_wait3A_194 = arith.constant 0 : i32
          %dma_wait3A_195 = arith.constant 0 : i32
          %dma_wait3A_196 = tpu.memref_slice %arg10[%dma_wait3A_194, %dma_wait3A_195] : memref<10240x128xf32, #tpu.memory_space<vmem_shared>> -> memref<10240x128xf32, #tpu.memory_space<vmem_shared>>
          %dma_wait3A_197 = tpu.memref_slice %arg13[%rem3A_157] : memref<3x!tpu.dma_semaphore, #tpu.memory_space<semaphore_mem>> -> memref<1x!tpu.dma_semaphore, #tpu.memory_space<semaphore_mem>>
          %dma_wait3A_198 = tpu.memref_squeeze %dma_wait3A_197 : memref<1x!tpu.dma_semaphore, #tpu.memory_space<semaphore_mem>> -> memref<!tpu.dma_semaphore, #tpu.memory_space<semaphore_mem>>
          tpu.wait_indirect_dma semaphore(%dma_wait3A_198 : memref<!tpu.dma_semaphore, #tpu.memory_space<semaphore_mem>>) src(%dma_wait3A_190 : memref<80x128xf32, #tpu.memory_space<vmem>>) dst(%dma_wait3A_196 : memref<10240x128xf32, #tpu.memory_space<vmem_shared>>)
        } else {
        }
        %add3A_162 = arith.constant 2 : i32
        %add3A_163 = arith.addi %scan3A_113, %add3A_162 : i32
        %mul3A_164 = arith.constant 80 : i32
        %mul3A_165 = arith.muli %add3A_163, %mul3A_164 : i32
        %add3A_166 = arith.addi %mul3A_4, %mul3A_165 : i32
        %dma_start3A_167 = arith.constant 0 : i32
        %dma_start3A_168 = tpu.memref_slice %arg8[%rem3A_157, %dma_start3A_167] : memref<3x80xi32, #tpu.memory_space<vmem>> -> memref<1x80xi32, #tpu.memory_space<vmem>>
        %dma_start3A_169 = tpu.memref_squeeze %dma_start3A_168 : memref<1x80xi32, #tpu.memory_space<vmem>> -> memref<80xi32, #tpu.memory_space<vmem>>
        %dma_start3A_170 = tpu.memref_slice %arg3[%add3A_166] : memref<320000xi32, #tpu.memory_space<hbm>> -> memref<80xi32, #tpu.memory_space<hbm>>
        %dma_start3A_171 = tpu.memref_slice %arg12[%rem3A_157] : memref<3x!tpu.dma_semaphore, #tpu.memory_space<semaphore_mem>> -> memref<1x!tpu.dma_semaphore, #tpu.memory_space<semaphore_mem>>
        %dma_start3A_172 = tpu.memref_squeeze %dma_start3A_171 : memref<1x!tpu.dma_semaphore, #tpu.memory_space<semaphore_mem>> -> memref<!tpu.dma_semaphore, #tpu.memory_space<semaphore_mem>>
        %dma_start3A_173 = arith.constant 0 : i32
        %dma_start3A_174 = tpu.memref_slice %arg8[%rem3A_157, %dma_start3A_173] : memref<3x80xi32, #tpu.memory_space<vmem>> -> memref<1x80xi32, #tpu.memory_space<vmem>>
        %dma_start3A_175 = tpu.memref_squeeze %dma_start3A_174 : memref<1x80xi32, #tpu.memory_space<vmem>> -> memref<80xi32, #tpu.memory_space<vmem>>
        %dma_start3A_176 = tpu.memref_slice %arg3[%add3A_166] : memref<320000xi32, #tpu.memory_space<hbm>> -> memref<80xi32, #tpu.memory_space<hbm>>
        tpu.enqueue_dma source(%dma_start3A_176 : memref<80xi32, #tpu.memory_space<hbm>>) target(%dma_start3A_175 : memref<80xi32, #tpu.memory_space<vmem>>) target_semaphore(%dma_start3A_172 : memref<!tpu.dma_semaphore, #tpu.memory_space<semaphore_mem>>)
        %dma_start3A_177 = arith.constant 0 : i32
        %dma_start3A_178 = arith.constant 0 : i32
        %dma_start3A_179 = tpu.memref_slice %arg9[%rem3A_157, %dma_start3A_177, %dma_start3A_178] : memref<3x80x128xf32, #tpu.memory_space<vmem>> -> memref<1x80x128xf32, #tpu.memory_space<vmem>>
        %dma_start3A_180 = tpu.memref_squeeze %dma_start3A_179 : memref<1x80x128xf32, #tpu.memory_space<vmem>> -> memref<80x128xf32, #tpu.memory_space<vmem>>
        %dma_start3A_181 = tpu.memref_slice %arg7[%mul3A_165] : memref<10000xi32, #tpu.memory_space<vmem>> -> memref<80xi32, #tpu.memory_space<vmem>>
        %dma_start3A_182 = arith.constant 0 : i32
        %dma_start3A_183 = arith.constant 0 : i32
        %dma_start3A_184 = tpu.memref_slice %arg4[%dma_start3A_182, %dma_start3A_183] : memref<10240x128xf32, #tpu.memory_space<hbm>> -> memref<10240x128xf32, #tpu.memory_space<hbm>>
        %dma_start3A_185 = tpu.memref_slice %arg11[%rem3A_157] : memref<3x!tpu.dma_semaphore, #tpu.memory_space<semaphore_mem>> -> memref<1x!tpu.dma_semaphore, #tpu.memory_space<semaphore_mem>>
        %dma_start3A_186 = tpu.memref_squeeze %dma_start3A_185 : memref<1x!tpu.dma_semaphore, #tpu.memory_space<semaphore_mem>> -> memref<!tpu.dma_semaphore, #tpu.memory_space<semaphore_mem>>
        tpu.enqueue_indirect_dma source(%dma_start3A_184 : memref<10240x128xf32, #tpu.memory_space<hbm>>) target(%dma_start3A_180 : memref<80x128xf32, #tpu.memory_space<vmem>>) offsets(%dma_start3A_181 : memref<80xi32, #tpu.memory_space<vmem>>) semaphore(%dma_start3A_186 : memref<!tpu.dma_semaphore, #tpu.memory_space<semaphore_mem>>)
      } else {
      }
      %dma_wait3A_121 = arith.constant 0 : i32
      %dma_wait3A_122 = tpu.memref_slice %arg8[%rem3A_114, %dma_wait3A_121] : memref<3x80xi32, #tpu.memory_space<vmem>> -> memref<1x80xi32, #tpu.memory_space<vmem>>
      %dma_wait3A_123 = tpu.memref_squeeze %dma_wait3A_122 : memref<1x80xi32, #tpu.memory_space<vmem>> -> memref<80xi32, #tpu.memory_space<vmem>>
      %dma_wait3A_124 = tpu.memref_slice %arg3[%mul3A_4] : memref<320000xi32, #tpu.memory_space<hbm>> -> memref<80xi32, #tpu.memory_space<hbm>>
      %dma_wait3A_125 = tpu.memref_slice %arg12[%rem3A_114] : memref<3x!tpu.dma_semaphore, #tpu.memory_space<semaphore_mem>> -> memref<1x!tpu.dma_semaphore, #tpu.memory_space<semaphore_mem>>
      %dma_wait3A_126 = tpu.memref_squeeze %dma_wait3A_125 : memref<1x!tpu.dma_semaphore, #tpu.memory_space<semaphore_mem>> -> memref<!tpu.dma_semaphore, #tpu.memory_space<semaphore_mem>>
      %dma_wait3A_127 = arith.constant 0 : i32
      %dma_wait3A_128 = tpu.memref_slice %arg8[%rem3A_114, %dma_wait3A_127] : memref<3x80xi32, #tpu.memory_space<vmem>> -> memref<1x80xi32, #tpu.memory_space<vmem>>
      %dma_wait3A_129 = tpu.memref_squeeze %dma_wait3A_128 : memref<1x80xi32, #tpu.memory_space<vmem>> -> memref<80xi32, #tpu.memory_space<vmem>>
      %dma_wait3A_130 = tpu.memref_slice %arg3[%mul3A_4] : memref<320000xi32, #tpu.memory_space<hbm>> -> memref<80xi32, #tpu.memory_space<hbm>>
      tpu.wait_dma2 semaphore(%dma_wait3A_126 : memref<!tpu.dma_semaphore, #tpu.memory_space<semaphore_mem>>) src(%dma_wait3A_130 : memref<80xi32, #tpu.memory_space<hbm>>) dst(%dma_wait3A_129 : memref<80xi32, #tpu.memory_space<vmem>>)
      %dma_wait3A_131 = arith.constant 0 : i32
      %dma_wait3A_132 = arith.constant 0 : i32
      %dma_wait3A_133 = tpu.memref_slice %arg9[%rem3A_114, %dma_wait3A_131, %dma_wait3A_132] : memref<3x80x128xf32, #tpu.memory_space<vmem>> -> memref<1x80x128xf32, #tpu.memory_space<vmem>>
      %dma_wait3A_134 = tpu.memref_squeeze %dma_wait3A_133 : memref<1x80x128xf32, #tpu.memory_space<vmem>> -> memref<80x128xf32, #tpu.memory_space<vmem>>
      %dma_wait3A_135 = arith.constant 0 : i32
      %dma_wait3A_136 = tpu.memref_slice %arg7[%dma_wait3A_135] : memref<10000xi32, #tpu.memory_space<vmem>> -> memref<80xi32, #tpu.memory_space<vmem>>
      %dma_wait3A_137 = arith.constant 0 : i32
      %dma_wait3A_138 = arith.constant 0 : i32
      %dma_wait3A_139 = tpu.memref_slice %arg4[%dma_wait3A_137, %dma_wait3A_138] : memref<10240x128xf32, #tpu.memory_space<hbm>> -> memref<10240x128xf32, #tpu.memory_space<hbm>>
      %dma_wait3A_140 = tpu.memref_slice %arg11[%rem3A_114] : memref<3x!tpu.dma_semaphore, #tpu.memory_space<semaphore_mem>> -> memref<1x!tpu.dma_semaphore, #tpu.memory_space<semaphore_mem>>
      %dma_wait3A_141 = tpu.memref_squeeze %dma_wait3A_140 : memref<1x!tpu.dma_semaphore, #tpu.memory_space<semaphore_mem>> -> memref<!tpu.dma_semaphore, #tpu.memory_space<semaphore_mem>>
      tpu.wait_indirect_dma semaphore(%dma_wait3A_141 : memref<!tpu.dma_semaphore, #tpu.memory_space<semaphore_mem>>) src(%dma_wait3A_139 : memref<10240x128xf32, #tpu.memory_space<hbm>>) dst(%dma_wait3A_134 : memref<80x128xf32, #tpu.memory_space<vmem>>)
      %dma_start3A_142 = arith.constant 0 : i32
      %dma_start3A_143 = arith.constant 0 : i32
      %dma_start3A_144 = tpu.memref_slice %arg9[%rem3A_114, %dma_start3A_142, %dma_start3A_143] : memref<3x80x128xf32, #tpu.memory_space<vmem>> -> memref<1x80x128xf32, #tpu.memory_space<vmem>>
      %dma_start3A_145 = tpu.memref_squeeze %dma_start3A_144 : memref<1x80x128xf32, #tpu.memory_space<vmem>> -> memref<80x128xf32, #tpu.memory_space<vmem>>
      %dma_start3A_146 = arith.constant 0 : i32
      %dma_start3A_147 = tpu.memref_slice %arg8[%rem3A_114, %dma_start3A_146] : memref<3x80xi32, #tpu.memory_space<vmem>> -> memref<1x80xi32, #tpu.memory_space<vmem>>
      %dma_start3A_148 = tpu.memref_squeeze %dma_start3A_147 : memref<1x80xi32, #tpu.memory_space<vmem>> -> memref<80xi32, #tpu.memory_space<vmem>>
      %dma_start3A_149 = arith.constant 0 : i32
      %dma_start3A_150 = arith.constant 0 : i32
      %dma_start3A_151 = tpu.memref_slice %arg10[%dma_start3A_149, %dma_start3A_150] : memref<10240x128xf32, #tpu.memory_space<vmem_shared>> -> memref<10240x128xf32, #tpu.memory_space<vmem_shared>>
      %dma_start3A_152 = tpu.memref_slice %arg13[%rem3A_114] : memref<3x!tpu.dma_semaphore, #tpu.memory_space<semaphore_mem>> -> memref<1x!tpu.dma_semaphore, #tpu.memory_space<semaphore_mem>>
      %dma_start3A_153 = tpu.memref_squeeze %dma_start3A_152 : memref<1x!tpu.dma_semaphore, #tpu.memory_space<semaphore_mem>> -> memref<!tpu.dma_semaphore, #tpu.memory_space<semaphore_mem>>
      tpu.enqueue_indirect_dma source(%dma_start3A_145 : memref<80x128xf32, #tpu.memory_space<vmem>>) target(%dma_start3A_151 : memref<10240x128xf32, #tpu.memory_space<vmem_shared>>) offsets(%dma_start3A_148 : memref<80xi32, #tpu.memory_space<vmem>>) semaphore(%dma_start3A_153 : memref<!tpu.dma_semaphore, #tpu.memory_space<semaphore_mem>>) {add = true}
    }
    %scan3A_67 = arith.constant 125 : i32
    %dma_wait3A = arith.constant 2 : i32
    %dma_wait3A_68 = arith.constant 2 : i32
    %dma_wait3A_69 = arith.constant 2 : i32
    %dma_wait3A_70 = arith.constant 0 : i32
    %dma_wait3A_71 = arith.constant 0 : i32
    %dma_wait3A_72 = tpu.memref_slice %arg9[%dma_wait3A, %dma_wait3A_70, %dma_wait3A_71] : memref<3x80x128xf32, #tpu.memory_space<vmem>> -> memref<1x80x128xf32, #tpu.memory_space<vmem>>
    %dma_wait3A_73 = tpu.memref_squeeze %dma_wait3A_72 : memref<1x80x128xf32, #tpu.memory_space<vmem>> -> memref<80x128xf32, #tpu.memory_space<vmem>>
    %dma_wait3A_74 = arith.constant 0 : i32
    %dma_wait3A_75 = tpu.memref_slice %arg8[%dma_wait3A_68, %dma_wait3A_74] : memref<3x80xi32, #tpu.memory_space<vmem>> -> memref<1x80xi32, #tpu.memory_space<vmem>>
    %dma_wait3A_76 = tpu.memref_squeeze %dma_wait3A_75 : memref<1x80xi32, #tpu.memory_space<vmem>> -> memref<80xi32, #tpu.memory_space<vmem>>
    %dma_wait3A_77 = arith.constant 0 : i32
    %dma_wait3A_78 = arith.constant 0 : i32
    %dma_wait3A_79 = tpu.memref_slice %arg10[%dma_wait3A_77, %dma_wait3A_78] : memref<10240x128xf32, #tpu.memory_space<vmem_shared>> -> memref<10240x128xf32, #tpu.memory_space<vmem_shared>>
    %dma_wait3A_80 = tpu.memref_slice %arg13[%dma_wait3A_69] : memref<3x!tpu.dma_semaphore, #tpu.memory_space<semaphore_mem>> -> memref<1x!tpu.dma_semaphore, #tpu.memory_space<semaphore_mem>>
    %dma_wait3A_81 = tpu.memref_squeeze %dma_wait3A_80 : memref<1x!tpu.dma_semaphore, #tpu.memory_space<semaphore_mem>> -> memref<!tpu.dma_semaphore, #tpu.memory_space<semaphore_mem>>
    tpu.wait_indirect_dma semaphore(%dma_wait3A_81 : memref<!tpu.dma_semaphore, #tpu.memory_space<semaphore_mem>>) src(%dma_wait3A_73 : memref<80x128xf32, #tpu.memory_space<vmem>>) dst(%dma_wait3A_79 : memref<10240x128xf32, #tpu.memory_space<vmem_shared>>)
    %dma_wait3A_82 = arith.constant 0 : i32
    %dma_wait3A_83 = arith.constant 0 : i32
    %dma_wait3A_84 = arith.constant 0 : i32
    %dma_wait3A_85 = arith.constant 0 : i32
    %dma_wait3A_86 = arith.constant 0 : i32
    %dma_wait3A_87 = tpu.memref_slice %arg9[%dma_wait3A_82, %dma_wait3A_85, %dma_wait3A_86] : memref<3x80x128xf32, #tpu.memory_space<vmem>> -> memref<1x80x128xf32, #tpu.memory_space<vmem>>
    %dma_wait3A_88 = tpu.memref_squeeze %dma_wait3A_87 : memref<1x80x128xf32, #tpu.memory_space<vmem>> -> memref<80x128xf32, #tpu.memory_space<vmem>>
    %dma_wait3A_89 = arith.constant 0 : i32
    %dma_wait3A_90 = tpu.memref_slice %arg8[%dma_wait3A_83, %dma_wait3A_89] : memref<3x80xi32, #tpu.memory_space<vmem>> -> memref<1x80xi32, #tpu.memory_space<vmem>>
    %dma_wait3A_91 = tpu.memref_squeeze %dma_wait3A_90 : memref<1x80xi32, #tpu.memory_space<vmem>> -> memref<80xi32, #tpu.memory_space<vmem>>
    %dma_wait3A_92 = arith.constant 0 : i32
    %dma_wait3A_93 = arith.constant 0 : i32
    %dma_wait3A_94 = tpu.memref_slice %arg10[%dma_wait3A_92, %dma_wait3A_93] : memref<10240x128xf32, #tpu.memory_space<vmem_shared>> -> memref<10240x128xf32, #tpu.memory_space<vmem_shared>>
    %dma_wait3A_95 = tpu.memref_slice %arg13[%dma_wait3A_84] : memref<3x!tpu.dma_semaphore, #tpu.memory_space<semaphore_mem>> -> memref<1x!tpu.dma_semaphore, #tpu.memory_space<semaphore_mem>>
    %dma_wait3A_96 = tpu.memref_squeeze %dma_wait3A_95 : memref<1x!tpu.dma_semaphore, #tpu.memory_space<semaphore_mem>> -> memref<!tpu.dma_semaphore, #tpu.memory_space<semaphore_mem>>
    tpu.wait_indirect_dma semaphore(%dma_wait3A_96 : memref<!tpu.dma_semaphore, #tpu.memory_space<semaphore_mem>>) src(%dma_wait3A_88 : memref<80x128xf32, #tpu.memory_space<vmem>>) dst(%dma_wait3A_94 : memref<10240x128xf32, #tpu.memory_space<vmem_shared>>)
    %dma_wait3A_97 = arith.constant 1 : i32
    %dma_wait3A_98 = arith.constant 1 : i32
    %dma_wait3A_99 = arith.constant 1 : i32
    %dma_wait3A_100 = arith.constant 0 : i32
    %dma_wait3A_101 = arith.constant 0 : i32
    %dma_wait3A_102 = tpu.memref_slice %arg9[%dma_wait3A_97, %dma_wait3A_100, %dma_wait3A_101] : memref<3x80x128xf32, #tpu.memory_space<vmem>> -> memref<1x80x128xf32, #tpu.memory_space<vmem>>
    %dma_wait3A_103 = tpu.memref_squeeze %dma_wait3A_102 : memref<1x80x128xf32, #tpu.memory_space<vmem>> -> memref<80x128xf32, #tpu.memory_space<vmem>>
    %dma_wait3A_104 = arith.constant 0 : i32
    %dma_wait3A_105 = tpu.memref_slice %arg8[%dma_wait3A_98, %dma_wait3A_104] : memref<3x80xi32, #tpu.memory_space<vmem>> -> memref<1x80xi32, #tpu.memory_space<vmem>>
    %dma_wait3A_106 = tpu.memref_squeeze %dma_wait3A_105 : memref<1x80xi32, #tpu.memory_space<vmem>> -> memref<80xi32, #tpu.memory_space<vmem>>
    %dma_wait3A_107 = arith.constant 0 : i32
    %dma_wait3A_108 = arith.constant 0 : i32
    %dma_wait3A_109 = tpu.memref_slice %arg10[%dma_wait3A_107, %dma_wait3A_108] : memref<10240x128xf32, #tpu.memory_space<vmem_shared>> -> memref<10240x128xf32, #tpu.memory_space<vmem_shared>>
    %dma_wait3A_110 = tpu.memref_slice %arg13[%dma_wait3A_99] : memref<3x!tpu.dma_semaphore, #tpu.memory_space<semaphore_mem>> -> memref<1x!tpu.dma_semaphore, #tpu.memory_space<semaphore_mem>>
    %dma_wait3A_111 = tpu.memref_squeeze %dma_wait3A_110 : memref<1x!tpu.dma_semaphore, #tpu.memory_space<semaphore_mem>> -> memref<!tpu.dma_semaphore, #tpu.memory_space<semaphore_mem>>
    tpu.wait_indirect_dma semaphore(%dma_wait3A_111 : memref<!tpu.dma_semaphore, #tpu.memory_space<semaphore_mem>>) src(%dma_wait3A_103 : memref<80x128xf32, #tpu.memory_space<vmem>>) dst(%dma_wait3A_109 : memref<10240x128xf32, #tpu.memory_space<vmem_shared>>)
    %barrier3A_112 = arith.constant 0 : index
    tpu.barrier barrier_id(%barrier3A_112)
    "tpu.region"() ({
      %run_scoped3A = tpu.sem_alloc : memref<!tpu.dma_semaphore, #tpu.memory_space<semaphore_mem>>
      %dma_start3A_113 = arith.constant 0 : i32
      %dma_start3A_114 = tpu.memref_slice %arg6[%arg0, %mul3A_2, %dma_start3A_113] : memref<2x10240x128xf32, #tpu.memory_space<hbm>> -> memref<1x640x128xf32, #tpu.memory_space<hbm>>
      %dma_start3A_115 = tpu.memref_squeeze %dma_start3A_114 : memref<1x640x128xf32, #tpu.memory_space<hbm>> -> memref<640x128xf32, #tpu.memory_space<hbm>>
      %dma_start3A_116 = arith.constant 0 : i32
      %dma_start3A_117 = tpu.memref_slice %arg10[%mul3A_2, %dma_start3A_116] : memref<10240x128xf32, #tpu.memory_space<vmem_shared>> -> memref<640x128xf32, #tpu.memory_space<vmem_shared>>
      tpu.enqueue_dma source(%dma_start3A_117 : memref<640x128xf32, #tpu.memory_space<vmem_shared>>) target(%dma_start3A_115 : memref<640x128xf32, #tpu.memory_space<hbm>>) target_semaphore(%run_scoped3A : memref<!tpu.dma_semaphore, #tpu.memory_space<semaphore_mem>>)
      %dma_wait3A_118 = arith.constant 0 : i32
      %dma_wait3A_119 = tpu.memref_slice %arg6[%arg0, %mul3A_2, %dma_wait3A_118] : memref<2x10240x128xf32, #tpu.memory_space<hbm>> -> memref<1x640x128xf32, #tpu.memory_space<hbm>>
      %dma_wait3A_120 = tpu.memref_squeeze %dma_wait3A_119 : memref<1x640x128xf32, #tpu.memory_space<hbm>> -> memref<640x128xf32, #tpu.memory_space<hbm>>
      %dma_wait3A_121 = arith.constant 0 : i32
      %dma_wait3A_122 = tpu.memref_slice %arg10[%mul3A_2, %dma_wait3A_121] : memref<10240x128xf32, #tpu.memory_space<vmem_shared>> -> memref<640x128xf32, #tpu.memory_space<vmem_shared>>
      tpu.wait_dma2 semaphore(%run_scoped3A : memref<!tpu.dma_semaphore, #tpu.memory_space<semaphore_mem>>) src(%dma_wait3A_122 : memref<640x128xf32, #tpu.memory_space<vmem_shared>>) dst(%dma_wait3A_120 : memref<640x128xf32, #tpu.memory_space<hbm>>)
      tpu.yield
    }) : () -> ()
    return
  }
}

#map = affine_map<(d0, d1) -> (0)>
#map1 = affine_map<(d0, d1) -> (0, 0)>
module attributes {stable_mosaic.version = 14 : i64} {
  func.func @_sc_degree(%arg0: i32, %arg1: i32, %arg2: memref<320000xi32, #tpu.memory_space<hbm>>, %arg3: memref<10240xf32, #tpu.memory_space<hbm>>, %arg4: memref<32x10240xf32, #tpu.memory_space<hbm>>, %arg5: memref<10000xi32, #tpu.memory_space<vmem>>, %arg6: memref<10240xf32, #tpu.memory_space<vmem>>) attributes {dimension_semantics = [#tpu.dimension_semantics<core_parallel>, #tpu.dimension_semantics<subcore_parallel>], iteration_bounds = array<i64: 2, 16>, scalar_prefetch = 0 : i64, scratch_operands = 2 : i64, tpu.core_type = #tpu.core_type<sc_vector_subcore>, window_params = [{transform_indices = #map}, {transform_indices = #map}, {transform_indices = #map1}]} {
    %mul3A = arith.constant 2 : i32
    %mul3A_0 = arith.muli %arg1, %mul3A : i32
    %add3A = arith.addi %mul3A_0, %arg0 : i32
    "tpu.region"() ({
      %run_scoped3A = tpu.sem_alloc : memref<!tpu.dma_semaphore, #tpu.memory_space<semaphore_mem>>
      tpu.enqueue_dma source(%arg3 : memref<10240xf32, #tpu.memory_space<hbm>>) target(%arg6 : memref<10240xf32, #tpu.memory_space<vmem>>) target_semaphore(%run_scoped3A : memref<!tpu.dma_semaphore, #tpu.memory_space<semaphore_mem>>)
      tpu.wait_dma2 semaphore(%run_scoped3A : memref<!tpu.dma_semaphore, #tpu.memory_space<semaphore_mem>>) src(%arg3 : memref<10240xf32, #tpu.memory_space<hbm>>) dst(%arg6 : memref<10240xf32, #tpu.memory_space<vmem>>)
      tpu.yield
    }) : () -> ()
    %mul3A_1 = arith.constant 10000 : i32
    %mul3A_2 = arith.muli %add3A, %mul3A_1 : i32
    "tpu.region"() ({
      %run_scoped3A = tpu.sem_alloc : memref<!tpu.dma_semaphore, #tpu.memory_space<semaphore_mem>>
      %dma_start3A = tpu.memref_slice %arg2[%mul3A_2] : memref<320000xi32, #tpu.memory_space<hbm>> -> memref<10000xi32, #tpu.memory_space<hbm>>
      %dma_start3A_8 = tpu.memref_slice %arg2[%mul3A_2] : memref<320000xi32, #tpu.memory_space<hbm>> -> memref<10000xi32, #tpu.memory_space<hbm>>
      tpu.enqueue_dma source(%dma_start3A_8 : memref<10000xi32, #tpu.memory_space<hbm>>) target(%arg5 : memref<10000xi32, #tpu.memory_space<vmem>>) target_semaphore(%run_scoped3A : memref<!tpu.dma_semaphore, #tpu.memory_space<semaphore_mem>>)
      %dma_wait3A = tpu.memref_slice %arg2[%mul3A_2] : memref<320000xi32, #tpu.memory_space<hbm>> -> memref<10000xi32, #tpu.memory_space<hbm>>
      %dma_wait3A_9 = tpu.memref_slice %arg2[%mul3A_2] : memref<320000xi32, #tpu.memory_space<hbm>> -> memref<10000xi32, #tpu.memory_space<hbm>>
      tpu.wait_dma2 semaphore(%run_scoped3A : memref<!tpu.dma_semaphore, #tpu.memory_space<semaphore_mem>>) src(%dma_wait3A_9 : memref<10000xi32, #tpu.memory_space<hbm>>) dst(%arg5 : memref<10000xi32, #tpu.memory_space<vmem>>)
      tpu.yield
    }) : () -> ()
    %broadcast_in_dim3A = arith.constant 1.000000e+00 : f32
    %broadcast_in_dim3A_3 = vector.broadcast %broadcast_in_dim3A : f32 to vector<16xf32>
    %scan3A = arith.constant 0 : i32
    %scan3A_4 = arith.constant 625 : i32
    %scan3A_5 = arith.addi %scan3A, %scan3A_4 : i32
    %scan3A_6 = arith.constant 1 : i32
    scf.for %scan3A_8 = %scan3A to %scan3A_5 step %scan3A_6  : i32 {
      %mul3A_9 = arith.constant 16 : i32
      %mul3A_10 = arith.muli %scan3A_8, %mul3A_9 : i32
      %get3A = arith.index_cast %mul3A_10 : i32 to index
      %get3A_11 = tpu.vector_load %arg5[%get3A] {strides = array<i32>} : memref<10000xi32, #tpu.memory_space<vmem>>, vector<16xi32>,
      tpu.vector_store_idx %arg6[%get3A_11], %broadcast_in_dim3A_3 {add = true} : memref<10240xf32, #tpu.memory_space<vmem>>[vector<16xi32>], vector<16xf32>,
    }
    %scan3A_7 = arith.constant 625 : i32
    "tpu.region"() ({
      %run_scoped3A = tpu.sem_alloc : memref<!tpu.dma_semaphore, #tpu.memory_space<semaphore_mem>>
      %dma_start3A = arith.constant 0 : i32
      %dma_start3A_8 = tpu.memref_slice %arg4[%add3A, %dma_start3A] : memref<32x10240xf32, #tpu.memory_space<hbm>> -> memref<1x10240xf32, #tpu.memory_space<hbm>>
      %dma_start3A_9 = tpu.memref_squeeze %dma_start3A_8 : memref<1x10240xf32, #tpu.memory_space<hbm>> -> memref<10240xf32, #tpu.memory_space<hbm>>
      %dma_start3A_10 = arith.constant 0 : i32
      %dma_start3A_11 = tpu.memref_slice %arg4[%add3A, %dma_start3A_10] : memref<32x10240xf32, #tpu.memory_space<hbm>> -> memref<1x10240xf32, #tpu.memory_space<hbm>>
      %dma_start3A_12 = tpu.memref_squeeze %dma_start3A_11 : memref<1x10240xf32, #tpu.memory_space<hbm>> -> memref<10240xf32, #tpu.memory_space<hbm>>
      tpu.enqueue_dma source(%arg6 : memref<10240xf32, #tpu.memory_space<vmem>>) target(%dma_start3A_12 : memref<10240xf32, #tpu.memory_space<hbm>>) target_semaphore(%run_scoped3A : memref<!tpu.dma_semaphore, #tpu.memory_space<semaphore_mem>>)
      %dma_wait3A = arith.constant 0 : i32
      %dma_wait3A_13 = tpu.memref_slice %arg4[%add3A, %dma_wait3A] : memref<32x10240xf32, #tpu.memory_space<hbm>> -> memref<1x10240xf32, #tpu.memory_space<hbm>>
      %dma_wait3A_14 = tpu.memref_squeeze %dma_wait3A_13 : memref<1x10240xf32, #tpu.memory_space<hbm>> -> memref<10240xf32, #tpu.memory_space<hbm>>
      %dma_wait3A_15 = arith.constant 0 : i32
      %dma_wait3A_16 = tpu.memref_slice %arg4[%add3A, %dma_wait3A_15] : memref<32x10240xf32, #tpu.memory_space<hbm>> -> memref<1x10240xf32, #tpu.memory_space<hbm>>
      %dma_wait3A_17 = tpu.memref_squeeze %dma_wait3A_16 : memref<1x10240xf32, #tpu.memory_space<hbm>> -> memref<10240xf32, #tpu.memory_space<hbm>>
      tpu.wait_dma2 semaphore(%run_scoped3A : memref<!tpu.dma_semaphore, #tpu.memory_space<semaphore_mem>>) src(%arg6 : memref<10240xf32, #tpu.memory_space<vmem>>) dst(%dma_wait3A_17 : memref<10240xf32, #tpu.memory_space<hbm>>)
      tpu.yield
    }) : () -> ()
    return
  }
}

#map = affine_map<(d0, d1) -> (0)>
#map1 = affine_map<(d0, d1) -> (0, 0)>
#map2 = affine_map<(d0, d1) -> (0, 0, 0)>
module attributes {stable_mosaic.version = 14 : i64} {
  func.func @_sc_aggregate(%arg0: i32, %arg1: i32, %arg2: memref<320000xi32, #tpu.memory_space<hbm>>, %arg3: memref<320000xi32, #tpu.memory_space<hbm>>, %arg4: memref<10240x128xf32, #tpu.memory_space<hbm>>, %arg5: memref<10240x128xf32, #tpu.memory_space<hbm>>, %arg6: memref<2x10240x128xf32, #tpu.memory_space<hbm>>, %arg7: memref<10000xi32, #tpu.memory_space<vmem>>, %arg8: memref<3x80xi32, #tpu.memory_space<vmem>>, %arg9: memref<3x80x128xf32, #tpu.memory_space<vmem>>, %arg10: memref<10240x128xf32, #tpu.memory_space<vmem_shared>>, %arg11: memref<3x!tpu.dma_semaphore, #tpu.memory_space<semaphore_mem>>, %arg12: memref<3x!tpu.dma_semaphore, #tpu.memory_space<semaphore_mem>>, %arg13: memref<3x!tpu.dma_semaphore, #tpu.memory_space<semaphore_mem>>) attributes {dimension_semantics = [#tpu.dimension_semantics<core_parallel>, #tpu.dimension_semantics<subcore_parallel>], iteration_bounds = array<i64: 2, 16>, scalar_prefetch = 0 : i64, scratch_operands = 7 : i64, tpu.core_type = #tpu.core_type<sc_vector_subcore>, window_params = [{transform_indices = #map}, {transform_indices = #map}, {transform_indices = #map1}, {transform_indices = #map1}, {transform_indices = #map2}]} {
    %mul3A = arith.constant 2 : i32
    %mul3A_0 = arith.muli %arg1, %mul3A : i32
    %add3A = arith.addi %mul3A_0, %arg0 : i32
    %mul3A_1 = arith.constant 640 : i32
    %mul3A_2 = arith.muli %arg1, %mul3A_1 : i32
    %mul3A_3 = arith.constant 10000 : i32
    %mul3A_4 = arith.muli %add3A, %mul3A_3 : i32
    %eq3A = arith.constant 0 : i32
    %eq3A_5 = arith.cmpi eq, %arg0, %eq3A : i32
    %convert_element_type3A = arith.extui %eq3A_5 : i1 to i32
    %cond3A = arith.constant 0 : i32
    %cond3A_6 = arith.cmpi ne, %convert_element_type3A, %cond3A : i32
    scf.if %cond3A_6 {
      "tpu.region"() ({
        %run_scoped3A = tpu.sem_alloc : memref<!tpu.dma_semaphore, #tpu.memory_space<semaphore_mem>>
        %dma_start3A_113 = arith.constant 0 : i32
        %dma_start3A_114 = tpu.memref_slice %arg10[%mul3A_2, %dma_start3A_113] : memref<10240x128xf32, #tpu.memory_space<vmem_shared>> -> memref<640x128xf32, #tpu.memory_space<vmem_shared>>
        %dma_start3A_115 = arith.constant 0 : i32
        %dma_start3A_116 = tpu.memref_slice %arg4[%mul3A_2, %dma_start3A_115] : memref<10240x128xf32, #tpu.memory_space<hbm>> -> memref<640x128xf32, #tpu.memory_space<hbm>>
        tpu.enqueue_dma source(%dma_start3A_116 : memref<640x128xf32, #tpu.memory_space<hbm>>) target(%dma_start3A_114 : memref<640x128xf32, #tpu.memory_space<vmem_shared>>) target_semaphore(%run_scoped3A : memref<!tpu.dma_semaphore, #tpu.memory_space<semaphore_mem>>)
        %dma_wait3A_117 = arith.constant 0 : i32
        %dma_wait3A_118 = tpu.memref_slice %arg10[%mul3A_2, %dma_wait3A_117] : memref<10240x128xf32, #tpu.memory_space<vmem_shared>> -> memref<640x128xf32, #tpu.memory_space<vmem_shared>>
        %dma_wait3A_119 = arith.constant 0 : i32
        %dma_wait3A_120 = tpu.memref_slice %arg4[%mul3A_2, %dma_wait3A_119] : memref<10240x128xf32, #tpu.memory_space<hbm>> -> memref<640x128xf32, #tpu.memory_space<hbm>>
        tpu.wait_dma2 semaphore(%run_scoped3A : memref<!tpu.dma_semaphore, #tpu.memory_space<semaphore_mem>>) src(%dma_wait3A_120 : memref<640x128xf32, #tpu.memory_space<hbm>>) dst(%dma_wait3A_118 : memref<640x128xf32, #tpu.memory_space<vmem_shared>>)
        tpu.yield
      }) : () -> ()
    } else {
    }
    %ne3A = arith.constant 0 : i32
    %ne3A_7 = arith.cmpi ne, %arg0, %ne3A : i32
    %convert_element_type3A_8 = arith.extui %ne3A_7 : i1 to i32
    %cond3A_9 = arith.constant 0 : i32
    %cond3A_10 = arith.cmpi ne, %convert_element_type3A_8, %cond3A_9 : i32
    scf.if %cond3A_10 {
      "tpu.region"() ({
        %run_scoped3A = tpu.sem_alloc : memref<!tpu.dma_semaphore, #tpu.memory_space<semaphore_mem>>
        %dma_start3A_113 = arith.constant 0 : i32
        %dma_start3A_114 = tpu.memref_slice %arg10[%mul3A_2, %dma_start3A_113] : memref<10240x128xf32, #tpu.memory_space<vmem_shared>> -> memref<640x128xf32, #tpu.memory_space<vmem_shared>>
        %dma_start3A_115 = arith.constant 0 : i32
        %dma_start3A_116 = tpu.memref_slice %arg5[%mul3A_2, %dma_start3A_115] : memref<10240x128xf32, #tpu.memory_space<hbm>> -> memref<640x128xf32, #tpu.memory_space<hbm>>
        tpu.enqueue_dma source(%dma_start3A_116 : memref<640x128xf32, #tpu.memory_space<hbm>>) target(%dma_start3A_114 : memref<640x128xf32, #tpu.memory_space<vmem_shared>>) target_semaphore(%run_scoped3A : memref<!tpu.dma_semaphore, #tpu.memory_space<semaphore_mem>>)
        %dma_wait3A_117 = arith.constant 0 : i32
        %dma_wait3A_118 = tpu.memref_slice %arg10[%mul3A_2, %dma_wait3A_117] : memref<10240x128xf32, #tpu.memory_space<vmem_shared>> -> memref<640x128xf32, #tpu.memory_space<vmem_shared>>
        %dma_wait3A_119 = arith.constant 0 : i32
        %dma_wait3A_120 = tpu.memref_slice %arg5[%mul3A_2, %dma_wait3A_119] : memref<10240x128xf32, #tpu.memory_space<hbm>> -> memref<640x128xf32, #tpu.memory_space<hbm>>
        tpu.wait_dma2 semaphore(%run_scoped3A : memref<!tpu.dma_semaphore, #tpu.memory_space<semaphore_mem>>) src(%dma_wait3A_120 : memref<640x128xf32, #tpu.memory_space<hbm>>) dst(%dma_wait3A_118 : memref<640x128xf32, #tpu.memory_space<vmem_shared>>)
        tpu.yield
      }) : () -> ()
    } else {
    }
    "tpu.region"() ({
      %run_scoped3A = tpu.sem_alloc : memref<!tpu.dma_semaphore, #tpu.memory_space<semaphore_mem>>
      %dma_start3A_113 = tpu.memref_slice %arg2[%mul3A_4] : memref<320000xi32, #tpu.memory_space<hbm>> -> memref<10000xi32, #tpu.memory_space<hbm>>
      %dma_start3A_114 = tpu.memref_slice %arg2[%mul3A_4] : memref<320000xi32, #tpu.memory_space<hbm>> -> memref<10000xi32, #tpu.memory_space<hbm>>
      tpu.enqueue_dma source(%dma_start3A_114 : memref<10000xi32, #tpu.memory_space<hbm>>) target(%arg7 : memref<10000xi32, #tpu.memory_space<vmem>>) target_semaphore(%run_scoped3A : memref<!tpu.dma_semaphore, #tpu.memory_space<semaphore_mem>>)
      %dma_wait3A_115 = tpu.memref_slice %arg2[%mul3A_4] : memref<320000xi32, #tpu.memory_space<hbm>> -> memref<10000xi32, #tpu.memory_space<hbm>>
      %dma_wait3A_116 = tpu.memref_slice %arg2[%mul3A_4] : memref<320000xi32, #tpu.memory_space<hbm>> -> memref<10000xi32, #tpu.memory_space<hbm>>
      tpu.wait_dma2 semaphore(%run_scoped3A : memref<!tpu.dma_semaphore, #tpu.memory_space<semaphore_mem>>) src(%dma_wait3A_116 : memref<10000xi32, #tpu.memory_space<hbm>>) dst(%arg7 : memref<10000xi32, #tpu.memory_space<vmem>>)
      tpu.yield
    }) : () -> ()
    %barrier3A = arith.constant 0 : index
    tpu.barrier barrier_id(%barrier3A)
    %add3A_11 = arith.constant 0 : i32
    %add3A_12 = arith.addi %mul3A_4, %add3A_11 : i32
    %dma_start3A = arith.constant 0 : i32
    %dma_start3A_13 = arith.constant 0 : i32
    %dma_start3A_14 = arith.constant 0 : i32
    %dma_start3A_15 = tpu.memref_slice %arg8[%dma_start3A, %dma_start3A_14] : memref<3x80xi32, #tpu.memory_space<vmem>> -> memref<1x80xi32, #tpu.memory_space<vmem>>
    %dma_start3A_16 = tpu.memref_squeeze %dma_start3A_15 : memref<1x80xi32, #tpu.memory_space<vmem>> -> memref<80xi32, #tpu.memory_space<vmem>>
    %dma_start3A_17 = tpu.memref_slice %arg3[%add3A_12] : memref<320000xi32, #tpu.memory_space<hbm>> -> memref<80xi32, #tpu.memory_space<hbm>>
    %dma_start3A_18 = tpu.memref_slice %arg12[%dma_start3A_13] : memref<3x!tpu.dma_semaphore, #tpu.memory_space<semaphore_mem>> -> memref<1x!tpu.dma_semaphore, #tpu.memory_space<semaphore_mem>>
    %dma_start3A_19 = tpu.memref_squeeze %dma_start3A_18 : memref<1x!tpu.dma_semaphore, #tpu.memory_space<semaphore_mem>> -> memref<!tpu.dma_semaphore, #tpu.memory_space<semaphore_mem>>
    %dma_start3A_20 = arith.constant 0 : i32
    %dma_start3A_21 = tpu.memref_slice %arg8[%dma_start3A, %dma_start3A_20] : memref<3x80xi32, #tpu.memory_space<vmem>> -> memref<1x80xi32, #tpu.memory_space<vmem>>
    %dma_start3A_22 = tpu.memref_squeeze %dma_start3A_21 : memref<1x80xi32, #tpu.memory_space<vmem>> -> memref<80xi32, #tpu.memory_space<vmem>>
    %dma_start3A_23 = tpu.memref_slice %arg3[%add3A_12] : memref<320000xi32, #tpu.memory_space<hbm>> -> memref<80xi32, #tpu.memory_space<hbm>>
    tpu.enqueue_dma source(%dma_start3A_23 : memref<80xi32, #tpu.memory_space<hbm>>) target(%dma_start3A_22 : memref<80xi32, #tpu.memory_space<vmem>>) target_semaphore(%dma_start3A_19 : memref<!tpu.dma_semaphore, #tpu.memory_space<semaphore_mem>>)
    %dma_start3A_24 = arith.constant 0 : i32
    %dma_start3A_25 = arith.constant 0 : i32
    %dma_start3A_26 = arith.constant 0 : i32
    %dma_start3A_27 = arith.constant 0 : i32
    %dma_start3A_28 = tpu.memref_slice %arg9[%dma_start3A_24, %dma_start3A_26, %dma_start3A_27] : memref<3x80x128xf32, #tpu.memory_space<vmem>> -> memref<1x80x128xf32, #tpu.memory_space<vmem>>
    %dma_start3A_29 = tpu.memref_squeeze %dma_start3A_28 : memref<1x80x128xf32, #tpu.memory_space<vmem>> -> memref<80x128xf32, #tpu.memory_space<vmem>>
    %dma_start3A_30 = arith.constant 0 : i32
    %dma_start3A_31 = tpu.memref_slice %arg7[%dma_start3A_30] : memref<10000xi32, #tpu.memory_space<vmem>> -> memref<80xi32, #tpu.memory_space<vmem>>
    %dma_start3A_32 = arith.constant 0 : i32
    %dma_start3A_33 = arith.constant 0 : i32
    %dma_start3A_34 = tpu.memref_slice %arg4[%dma_start3A_32, %dma_start3A_33] : memref<10240x128xf32, #tpu.memory_space<hbm>> -> memref<10240x128xf32, #tpu.memory_space<hbm>>
    %dma_start3A_35 = tpu.memref_slice %arg11[%dma_start3A_25] : memref<3x!tpu.dma_semaphore, #tpu.memory_space<semaphore_mem>> -> memref<1x!tpu.dma_semaphore, #tpu.memory_space<semaphore_mem>>
    %dma_start3A_36 = tpu.memref_squeeze %dma_start3A_35 : memref<1x!tpu.dma_semaphore, #tpu.memory_space<semaphore_mem>> -> memref<!tpu.dma_semaphore, #tpu.memory_space<semaphore_mem>>
    tpu.enqueue_indirect_dma source(%dma_start3A_34 : memref<10240x128xf32, #tpu.memory_space<hbm>>) target(%dma_start3A_29 : memref<80x128xf32, #tpu.memory_space<vmem>>) offsets(%dma_start3A_31 : memref<80xi32, #tpu.memory_space<vmem>>) semaphore(%dma_start3A_36 : memref<!tpu.dma_semaphore, #tpu.memory_space<semaphore_mem>>)
    %add3A_37 = arith.constant 80 : i32
    %add3A_38 = arith.addi %mul3A_4, %add3A_37 : i32
    %dma_start3A_39 = arith.constant 1 : i32
    %dma_start3A_40 = arith.constant 1 : i32
    %dma_start3A_41 = arith.constant 0 : i32
    %dma_start3A_42 = tpu.memref_slice %arg8[%dma_start3A_39, %dma_start3A_41] : memref<3x80xi32, #tpu.memory_space<vmem>> -> memref<1x80xi32, #tpu.memory_space<vmem>>
    %dma_start3A_43 = tpu.memref_squeeze %dma_start3A_42 : memref<1x80xi32, #tpu.memory_space<vmem>> -> memref<80xi32, #tpu.memory_space<vmem>>
    %dma_start3A_44 = tpu.memref_slice %arg3[%add3A_38] : memref<320000xi32, #tpu.memory_space<hbm>> -> memref<80xi32, #tpu.memory_space<hbm>>
    %dma_start3A_45 = tpu.memref_slice %arg12[%dma_start3A_40] : memref<3x!tpu.dma_semaphore, #tpu.memory_space<semaphore_mem>> -> memref<1x!tpu.dma_semaphore, #tpu.memory_space<semaphore_mem>>
    %dma_start3A_46 = tpu.memref_squeeze %dma_start3A_45 : memref<1x!tpu.dma_semaphore, #tpu.memory_space<semaphore_mem>> -> memref<!tpu.dma_semaphore, #tpu.memory_space<semaphore_mem>>
    %dma_start3A_47 = arith.constant 0 : i32
    %dma_start3A_48 = tpu.memref_slice %arg8[%dma_start3A_39, %dma_start3A_47] : memref<3x80xi32, #tpu.memory_space<vmem>> -> memref<1x80xi32, #tpu.memory_space<vmem>>
    %dma_start3A_49 = tpu.memref_squeeze %dma_start3A_48 : memref<1x80xi32, #tpu.memory_space<vmem>> -> memref<80xi32, #tpu.memory_space<vmem>>
    %dma_start3A_50 = tpu.memref_slice %arg3[%add3A_38] : memref<320000xi32, #tpu.memory_space<hbm>> -> memref<80xi32, #tpu.memory_space<hbm>>
    tpu.enqueue_dma source(%dma_start3A_50 : memref<80xi32, #tpu.memory_space<hbm>>) target(%dma_start3A_49 : memref<80xi32, #tpu.memory_space<vmem>>) target_semaphore(%dma_start3A_46 : memref<!tpu.dma_semaphore, #tpu.memory_space<semaphore_mem>>)
    %dma_start3A_51 = arith.constant 1 : i32
    %dma_start3A_52 = arith.constant 1 : i32
    %dma_start3A_53 = arith.constant 0 : i32
    %dma_start3A_54 = arith.constant 0 : i32
    %dma_start3A_55 = tpu.memref_slice %arg9[%dma_start3A_51, %dma_start3A_53, %dma_start3A_54] : memref<3x80x128xf32, #tpu.memory_space<vmem>> -> memref<1x80x128xf32, #tpu.memory_space<vmem>>
    %dma_start3A_56 = tpu.memref_squeeze %dma_start3A_55 : memref<1x80x128xf32, #tpu.memory_space<vmem>> -> memref<80x128xf32, #tpu.memory_space<vmem>>
    %dma_start3A_57 = arith.constant 80 : i32
    %dma_start3A_58 = tpu.memref_slice %arg7[%dma_start3A_57] : memref<10000xi32, #tpu.memory_space<vmem>> -> memref<80xi32, #tpu.memory_space<vmem>>
    %dma_start3A_59 = arith.constant 0 : i32
    %dma_start3A_60 = arith.constant 0 : i32
    %dma_start3A_61 = tpu.memref_slice %arg4[%dma_start3A_59, %dma_start3A_60] : memref<10240x128xf32, #tpu.memory_space<hbm>> -> memref<10240x128xf32, #tpu.memory_space<hbm>>
    %dma_start3A_62 = tpu.memref_slice %arg11[%dma_start3A_52] : memref<3x!tpu.dma_semaphore, #tpu.memory_space<semaphore_mem>> -> memref<1x!tpu.dma_semaphore, #tpu.memory_space<semaphore_mem>>
    %dma_start3A_63 = tpu.memref_squeeze %dma_start3A_62 : memref<1x!tpu.dma_semaphore, #tpu.memory_space<semaphore_mem>> -> memref<!tpu.dma_semaphore, #tpu.memory_space<semaphore_mem>>
    tpu.enqueue_indirect_dma source(%dma_start3A_61 : memref<10240x128xf32, #tpu.memory_space<hbm>>) target(%dma_start3A_56 : memref<80x128xf32, #tpu.memory_space<vmem>>) offsets(%dma_start3A_58 : memref<80xi32, #tpu.memory_space<vmem>>) semaphore(%dma_start3A_63 : memref<!tpu.dma_semaphore, #tpu.memory_space<semaphore_mem>>)
    %scan3A = arith.constant 0 : i32
    %scan3A_64 = arith.constant 125 : i32
    %scan3A_65 = arith.addi %scan3A, %scan3A_64 : i32
    %scan3A_66 = arith.constant 1 : i32
    scf.for %scan3A_113 = %scan3A to %scan3A_65 step %scan3A_66  : i32 {
      %rem3A = arith.constant 3 : i32
      %rem3A_114 = arith.remsi %scan3A_113, %rem3A : i32
      %add3A_115 = arith.constant 2 : i32
      %add3A_116 = arith.addi %scan3A_113, %add3A_115 : i32
      %lt3A = arith.constant 125 : i32
      %lt3A_117 = arith.cmpi slt, %add3A_116, %lt3A : i32
      %convert_element_type3A_118 = arith.extui %lt3A_117 : i1 to i32
      %cond3A_119 = arith.constant 0 : i32
      %cond3A_120 = arith.cmpi ne, %convert_element_type3A_118, %cond3A_119 : i32
      scf.if %cond3A_120 {
        %add3A_154 = arith.constant 2 : i32
        %add3A_155 = arith.addi %scan3A_113, %add3A_154 : i32
        %rem3A_156 = arith.constant 3 : i32
        %rem3A_157 = arith.remsi %add3A_155, %rem3A_156 : i32
        %ge3A = arith.constant 1 : i32
        %ge3A_158 = arith.cmpi sge, %scan3A_113, %ge3A : i32
        %convert_element_type3A_159 = arith.extui %ge3A_158 : i1 to i32
        %cond3A_160 = arith.constant 0 : i32
        %cond3A_161 = arith.cmpi ne, %convert_element_type3A_159, %cond3A_160 : i32
        scf.if %cond3A_161 {
          %dma_wait3A_187 = arith.constant 0 : i32
          %dma_wait3A_188 = arith.constant 0 : i32
          %dma_wait3A_189 = tpu.memref_slice %arg9[%rem3A_157, %dma_wait3A_187, %dma_wait3A_188] : memref<3x80x128xf32, #tpu.memory_space<vmem>> -> memref<1x80x128xf32, #tpu.memory_space<vmem>>
          %dma_wait3A_190 = tpu.memref_squeeze %dma_wait3A_189 : memref<1x80x128xf32, #tpu.memory_space<vmem>> -> memref<80x128xf32, #tpu.memory_space<vmem>>
          %dma_wait3A_191 = arith.constant 0 : i32
          %dma_wait3A_192 = tpu.memref_slice %arg8[%rem3A_157, %dma_wait3A_191] : memref<3x80xi32, #tpu.memory_space<vmem>> -> memref<1x80xi32, #tpu.memory_space<vmem>>
          %dma_wait3A_193 = tpu.memref_squeeze %dma_wait3A_192 : memref<1x80xi32, #tpu.memory_space<vmem>> -> memref<80xi32, #tpu.memory_space<vmem>>
          %dma_wait3A_194 = arith.constant 0 : i32
          %dma_wait3A_195 = arith.constant 0 : i32
          %dma_wait3A_196 = tpu.memref_slice %arg10[%dma_wait3A_194, %dma_wait3A_195] : memref<10240x128xf32, #tpu.memory_space<vmem_shared>> -> memref<10240x128xf32, #tpu.memory_space<vmem_shared>>
          %dma_wait3A_197 = tpu.memref_slice %arg13[%rem3A_157] : memref<3x!tpu.dma_semaphore, #tpu.memory_space<semaphore_mem>> -> memref<1x!tpu.dma_semaphore, #tpu.memory_space<semaphore_mem>>
          %dma_wait3A_198 = tpu.memref_squeeze %dma_wait3A_197 : memref<1x!tpu.dma_semaphore, #tpu.memory_space<semaphore_mem>> -> memref<!tpu.dma_semaphore, #tpu.memory_space<semaphore_mem>>
          tpu.wait_indirect_dma semaphore(%dma_wait3A_198 : memref<!tpu.dma_semaphore, #tpu.memory_space<semaphore_mem>>) src(%dma_wait3A_190 : memref<80x128xf32, #tpu.memory_space<vmem>>) dst(%dma_wait3A_196 : memref<10240x128xf32, #tpu.memory_space<vmem_shared>>)
        } else {
        }
        %add3A_162 = arith.constant 2 : i32
        %add3A_163 = arith.addi %scan3A_113, %add3A_162 : i32
        %mul3A_164 = arith.constant 80 : i32
        %mul3A_165 = arith.muli %add3A_163, %mul3A_164 : i32
        %add3A_166 = arith.addi %mul3A_4, %mul3A_165 : i32
        %dma_start3A_167 = arith.constant 0 : i32
        %dma_start3A_168 = tpu.memref_slice %arg8[%rem3A_157, %dma_start3A_167] : memref<3x80xi32, #tpu.memory_space<vmem>> -> memref<1x80xi32, #tpu.memory_space<vmem>>
        %dma_start3A_169 = tpu.memref_squeeze %dma_start3A_168 : memref<1x80xi32, #tpu.memory_space<vmem>> -> memref<80xi32, #tpu.memory_space<vmem>>
        %dma_start3A_170 = tpu.memref_slice %arg3[%add3A_166] : memref<320000xi32, #tpu.memory_space<hbm>> -> memref<80xi32, #tpu.memory_space<hbm>>
        %dma_start3A_171 = tpu.memref_slice %arg12[%rem3A_157] : memref<3x!tpu.dma_semaphore, #tpu.memory_space<semaphore_mem>> -> memref<1x!tpu.dma_semaphore, #tpu.memory_space<semaphore_mem>>
        %dma_start3A_172 = tpu.memref_squeeze %dma_start3A_171 : memref<1x!tpu.dma_semaphore, #tpu.memory_space<semaphore_mem>> -> memref<!tpu.dma_semaphore, #tpu.memory_space<semaphore_mem>>
        %dma_start3A_173 = arith.constant 0 : i32
        %dma_start3A_174 = tpu.memref_slice %arg8[%rem3A_157, %dma_start3A_173] : memref<3x80xi32, #tpu.memory_space<vmem>> -> memref<1x80xi32, #tpu.memory_space<vmem>>
        %dma_start3A_175 = tpu.memref_squeeze %dma_start3A_174 : memref<1x80xi32, #tpu.memory_space<vmem>> -> memref<80xi32, #tpu.memory_space<vmem>>
        %dma_start3A_176 = tpu.memref_slice %arg3[%add3A_166] : memref<320000xi32, #tpu.memory_space<hbm>> -> memref<80xi32, #tpu.memory_space<hbm>>
        tpu.enqueue_dma source(%dma_start3A_176 : memref<80xi32, #tpu.memory_space<hbm>>) target(%dma_start3A_175 : memref<80xi32, #tpu.memory_space<vmem>>) target_semaphore(%dma_start3A_172 : memref<!tpu.dma_semaphore, #tpu.memory_space<semaphore_mem>>)
        %dma_start3A_177 = arith.constant 0 : i32
        %dma_start3A_178 = arith.constant 0 : i32
        %dma_start3A_179 = tpu.memref_slice %arg9[%rem3A_157, %dma_start3A_177, %dma_start3A_178] : memref<3x80x128xf32, #tpu.memory_space<vmem>> -> memref<1x80x128xf32, #tpu.memory_space<vmem>>
        %dma_start3A_180 = tpu.memref_squeeze %dma_start3A_179 : memref<1x80x128xf32, #tpu.memory_space<vmem>> -> memref<80x128xf32, #tpu.memory_space<vmem>>
        %dma_start3A_181 = tpu.memref_slice %arg7[%mul3A_165] : memref<10000xi32, #tpu.memory_space<vmem>> -> memref<80xi32, #tpu.memory_space<vmem>>
        %dma_start3A_182 = arith.constant 0 : i32
        %dma_start3A_183 = arith.constant 0 : i32
        %dma_start3A_184 = tpu.memref_slice %arg4[%dma_start3A_182, %dma_start3A_183] : memref<10240x128xf32, #tpu.memory_space<hbm>> -> memref<10240x128xf32, #tpu.memory_space<hbm>>
        %dma_start3A_185 = tpu.memref_slice %arg11[%rem3A_157] : memref<3x!tpu.dma_semaphore, #tpu.memory_space<semaphore_mem>> -> memref<1x!tpu.dma_semaphore, #tpu.memory_space<semaphore_mem>>
        %dma_start3A_186 = tpu.memref_squeeze %dma_start3A_185 : memref<1x!tpu.dma_semaphore, #tpu.memory_space<semaphore_mem>> -> memref<!tpu.dma_semaphore, #tpu.memory_space<semaphore_mem>>
        tpu.enqueue_indirect_dma source(%dma_start3A_184 : memref<10240x128xf32, #tpu.memory_space<hbm>>) target(%dma_start3A_180 : memref<80x128xf32, #tpu.memory_space<vmem>>) offsets(%dma_start3A_181 : memref<80xi32, #tpu.memory_space<vmem>>) semaphore(%dma_start3A_186 : memref<!tpu.dma_semaphore, #tpu.memory_space<semaphore_mem>>)
      } else {
      }
      %dma_wait3A_121 = arith.constant 0 : i32
      %dma_wait3A_122 = tpu.memref_slice %arg8[%rem3A_114, %dma_wait3A_121] : memref<3x80xi32, #tpu.memory_space<vmem>> -> memref<1x80xi32, #tpu.memory_space<vmem>>
      %dma_wait3A_123 = tpu.memref_squeeze %dma_wait3A_122 : memref<1x80xi32, #tpu.memory_space<vmem>> -> memref<80xi32, #tpu.memory_space<vmem>>
      %dma_wait3A_124 = tpu.memref_slice %arg3[%mul3A_4] : memref<320000xi32, #tpu.memory_space<hbm>> -> memref<80xi32, #tpu.memory_space<hbm>>
      %dma_wait3A_125 = tpu.memref_slice %arg12[%rem3A_114] : memref<3x!tpu.dma_semaphore, #tpu.memory_space<semaphore_mem>> -> memref<1x!tpu.dma_semaphore, #tpu.memory_space<semaphore_mem>>
      %dma_wait3A_126 = tpu.memref_squeeze %dma_wait3A_125 : memref<1x!tpu.dma_semaphore, #tpu.memory_space<semaphore_mem>> -> memref<!tpu.dma_semaphore, #tpu.memory_space<semaphore_mem>>
      %dma_wait3A_127 = arith.constant 0 : i32
      %dma_wait3A_128 = tpu.memref_slice %arg8[%rem3A_114, %dma_wait3A_127] : memref<3x80xi32, #tpu.memory_space<vmem>> -> memref<1x80xi32, #tpu.memory_space<vmem>>
      %dma_wait3A_129 = tpu.memref_squeeze %dma_wait3A_128 : memref<1x80xi32, #tpu.memory_space<vmem>> -> memref<80xi32, #tpu.memory_space<vmem>>
      %dma_wait3A_130 = tpu.memref_slice %arg3[%mul3A_4] : memref<320000xi32, #tpu.memory_space<hbm>> -> memref<80xi32, #tpu.memory_space<hbm>>
      tpu.wait_dma2 semaphore(%dma_wait3A_126 : memref<!tpu.dma_semaphore, #tpu.memory_space<semaphore_mem>>) src(%dma_wait3A_130 : memref<80xi32, #tpu.memory_space<hbm>>) dst(%dma_wait3A_129 : memref<80xi32, #tpu.memory_space<vmem>>)
      %dma_wait3A_131 = arith.constant 0 : i32
      %dma_wait3A_132 = arith.constant 0 : i32
      %dma_wait3A_133 = tpu.memref_slice %arg9[%rem3A_114, %dma_wait3A_131, %dma_wait3A_132] : memref<3x80x128xf32, #tpu.memory_space<vmem>> -> memref<1x80x128xf32, #tpu.memory_space<vmem>>
      %dma_wait3A_134 = tpu.memref_squeeze %dma_wait3A_133 : memref<1x80x128xf32, #tpu.memory_space<vmem>> -> memref<80x128xf32, #tpu.memory_space<vmem>>
      %dma_wait3A_135 = arith.constant 0 : i32
      %dma_wait3A_136 = tpu.memref_slice %arg7[%dma_wait3A_135] : memref<10000xi32, #tpu.memory_space<vmem>> -> memref<80xi32, #tpu.memory_space<vmem>>
      %dma_wait3A_137 = arith.constant 0 : i32
      %dma_wait3A_138 = arith.constant 0 : i32
      %dma_wait3A_139 = tpu.memref_slice %arg4[%dma_wait3A_137, %dma_wait3A_138] : memref<10240x128xf32, #tpu.memory_space<hbm>> -> memref<10240x128xf32, #tpu.memory_space<hbm>>
      %dma_wait3A_140 = tpu.memref_slice %arg11[%rem3A_114] : memref<3x!tpu.dma_semaphore, #tpu.memory_space<semaphore_mem>> -> memref<1x!tpu.dma_semaphore, #tpu.memory_space<semaphore_mem>>
      %dma_wait3A_141 = tpu.memref_squeeze %dma_wait3A_140 : memref<1x!tpu.dma_semaphore, #tpu.memory_space<semaphore_mem>> -> memref<!tpu.dma_semaphore, #tpu.memory_space<semaphore_mem>>
      tpu.wait_indirect_dma semaphore(%dma_wait3A_141 : memref<!tpu.dma_semaphore, #tpu.memory_space<semaphore_mem>>) src(%dma_wait3A_139 : memref<10240x128xf32, #tpu.memory_space<hbm>>) dst(%dma_wait3A_134 : memref<80x128xf32, #tpu.memory_space<vmem>>)
      %dma_start3A_142 = arith.constant 0 : i32
      %dma_start3A_143 = arith.constant 0 : i32
      %dma_start3A_144 = tpu.memref_slice %arg9[%rem3A_114, %dma_start3A_142, %dma_start3A_143] : memref<3x80x128xf32, #tpu.memory_space<vmem>> -> memref<1x80x128xf32, #tpu.memory_space<vmem>>
      %dma_start3A_145 = tpu.memref_squeeze %dma_start3A_144 : memref<1x80x128xf32, #tpu.memory_space<vmem>> -> memref<80x128xf32, #tpu.memory_space<vmem>>
      %dma_start3A_146 = arith.constant 0 : i32
      %dma_start3A_147 = tpu.memref_slice %arg8[%rem3A_114, %dma_start3A_146] : memref<3x80xi32, #tpu.memory_space<vmem>> -> memref<1x80xi32, #tpu.memory_space<vmem>>
      %dma_start3A_148 = tpu.memref_squeeze %dma_start3A_147 : memref<1x80xi32, #tpu.memory_space<vmem>> -> memref<80xi32, #tpu.memory_space<vmem>>
      %dma_start3A_149 = arith.constant 0 : i32
      %dma_start3A_150 = arith.constant 0 : i32
      %dma_start3A_151 = tpu.memref_slice %arg10[%dma_start3A_149, %dma_start3A_150] : memref<10240x128xf32, #tpu.memory_space<vmem_shared>> -> memref<10240x128xf32, #tpu.memory_space<vmem_shared>>
      %dma_start3A_152 = tpu.memref_slice %arg13[%rem3A_114] : memref<3x!tpu.dma_semaphore, #tpu.memory_space<semaphore_mem>> -> memref<1x!tpu.dma_semaphore, #tpu.memory_space<semaphore_mem>>
      %dma_start3A_153 = tpu.memref_squeeze %dma_start3A_152 : memref<1x!tpu.dma_semaphore, #tpu.memory_space<semaphore_mem>> -> memref<!tpu.dma_semaphore, #tpu.memory_space<semaphore_mem>>
      tpu.enqueue_indirect_dma source(%dma_start3A_145 : memref<80x128xf32, #tpu.memory_space<vmem>>) target(%dma_start3A_151 : memref<10240x128xf32, #tpu.memory_space<vmem_shared>>) offsets(%dma_start3A_148 : memref<80xi32, #tpu.memory_space<vmem>>) semaphore(%dma_start3A_153 : memref<!tpu.dma_semaphore, #tpu.memory_space<semaphore_mem>>) {add = true}
    }
    %scan3A_67 = arith.constant 125 : i32
    %dma_wait3A = arith.constant 2 : i32
    %dma_wait3A_68 = arith.constant 2 : i32
    %dma_wait3A_69 = arith.constant 2 : i32
    %dma_wait3A_70 = arith.constant 0 : i32
    %dma_wait3A_71 = arith.constant 0 : i32
    %dma_wait3A_72 = tpu.memref_slice %arg9[%dma_wait3A, %dma_wait3A_70, %dma_wait3A_71] : memref<3x80x128xf32, #tpu.memory_space<vmem>> -> memref<1x80x128xf32, #tpu.memory_space<vmem>>
    %dma_wait3A_73 = tpu.memref_squeeze %dma_wait3A_72 : memref<1x80x128xf32, #tpu.memory_space<vmem>> -> memref<80x128xf32, #tpu.memory_space<vmem>>
    %dma_wait3A_74 = arith.constant 0 : i32
    %dma_wait3A_75 = tpu.memref_slice %arg8[%dma_wait3A_68, %dma_wait3A_74] : memref<3x80xi32, #tpu.memory_space<vmem>> -> memref<1x80xi32, #tpu.memory_space<vmem>>
    %dma_wait3A_76 = tpu.memref_squeeze %dma_wait3A_75 : memref<1x80xi32, #tpu.memory_space<vmem>> -> memref<80xi32, #tpu.memory_space<vmem>>
    %dma_wait3A_77 = arith.constant 0 : i32
    %dma_wait3A_78 = arith.constant 0 : i32
    %dma_wait3A_79 = tpu.memref_slice %arg10[%dma_wait3A_77, %dma_wait3A_78] : memref<10240x128xf32, #tpu.memory_space<vmem_shared>> -> memref<10240x128xf32, #tpu.memory_space<vmem_shared>>
    %dma_wait3A_80 = tpu.memref_slice %arg13[%dma_wait3A_69] : memref<3x!tpu.dma_semaphore, #tpu.memory_space<semaphore_mem>> -> memref<1x!tpu.dma_semaphore, #tpu.memory_space<semaphore_mem>>
    %dma_wait3A_81 = tpu.memref_squeeze %dma_wait3A_80 : memref<1x!tpu.dma_semaphore, #tpu.memory_space<semaphore_mem>> -> memref<!tpu.dma_semaphore, #tpu.memory_space<semaphore_mem>>
    tpu.wait_indirect_dma semaphore(%dma_wait3A_81 : memref<!tpu.dma_semaphore, #tpu.memory_space<semaphore_mem>>) src(%dma_wait3A_73 : memref<80x128xf32, #tpu.memory_space<vmem>>) dst(%dma_wait3A_79 : memref<10240x128xf32, #tpu.memory_space<vmem_shared>>)
    %dma_wait3A_82 = arith.constant 0 : i32
    %dma_wait3A_83 = arith.constant 0 : i32
    %dma_wait3A_84 = arith.constant 0 : i32
    %dma_wait3A_85 = arith.constant 0 : i32
    %dma_wait3A_86 = arith.constant 0 : i32
    %dma_wait3A_87 = tpu.memref_slice %arg9[%dma_wait3A_82, %dma_wait3A_85, %dma_wait3A_86] : memref<3x80x128xf32, #tpu.memory_space<vmem>> -> memref<1x80x128xf32, #tpu.memory_space<vmem>>
    %dma_wait3A_88 = tpu.memref_squeeze %dma_wait3A_87 : memref<1x80x128xf32, #tpu.memory_space<vmem>> -> memref<80x128xf32, #tpu.memory_space<vmem>>
    %dma_wait3A_89 = arith.constant 0 : i32
    %dma_wait3A_90 = tpu.memref_slice %arg8[%dma_wait3A_83, %dma_wait3A_89] : memref<3x80xi32, #tpu.memory_space<vmem>> -> memref<1x80xi32, #tpu.memory_space<vmem>>
    %dma_wait3A_91 = tpu.memref_squeeze %dma_wait3A_90 : memref<1x80xi32, #tpu.memory_space<vmem>> -> memref<80xi32, #tpu.memory_space<vmem>>
    %dma_wait3A_92 = arith.constant 0 : i32
    %dma_wait3A_93 = arith.constant 0 : i32
    %dma_wait3A_94 = tpu.memref_slice %arg10[%dma_wait3A_92, %dma_wait3A_93] : memref<10240x128xf32, #tpu.memory_space<vmem_shared>> -> memref<10240x128xf32, #tpu.memory_space<vmem_shared>>
    %dma_wait3A_95 = tpu.memref_slice %arg13[%dma_wait3A_84] : memref<3x!tpu.dma_semaphore, #tpu.memory_space<semaphore_mem>> -> memref<1x!tpu.dma_semaphore, #tpu.memory_space<semaphore_mem>>
    %dma_wait3A_96 = tpu.memref_squeeze %dma_wait3A_95 : memref<1x!tpu.dma_semaphore, #tpu.memory_space<semaphore_mem>> -> memref<!tpu.dma_semaphore, #tpu.memory_space<semaphore_mem>>
    tpu.wait_indirect_dma semaphore(%dma_wait3A_96 : memref<!tpu.dma_semaphore, #tpu.memory_space<semaphore_mem>>) src(%dma_wait3A_88 : memref<80x128xf32, #tpu.memory_space<vmem>>) dst(%dma_wait3A_94 : memref<10240x128xf32, #tpu.memory_space<vmem_shared>>)
    %dma_wait3A_97 = arith.constant 1 : i32
    %dma_wait3A_98 = arith.constant 1 : i32
    %dma_wait3A_99 = arith.constant 1 : i32
    %dma_wait3A_100 = arith.constant 0 : i32
    %dma_wait3A_101 = arith.constant 0 : i32
    %dma_wait3A_102 = tpu.memref_slice %arg9[%dma_wait3A_97, %dma_wait3A_100, %dma_wait3A_101] : memref<3x80x128xf32, #tpu.memory_space<vmem>> -> memref<1x80x128xf32, #tpu.memory_space<vmem>>
    %dma_wait3A_103 = tpu.memref_squeeze %dma_wait3A_102 : memref<1x80x128xf32, #tpu.memory_space<vmem>> -> memref<80x128xf32, #tpu.memory_space<vmem>>
    %dma_wait3A_104 = arith.constant 0 : i32
    %dma_wait3A_105 = tpu.memref_slice %arg8[%dma_wait3A_98, %dma_wait3A_104] : memref<3x80xi32, #tpu.memory_space<vmem>> -> memref<1x80xi32, #tpu.memory_space<vmem>>
    %dma_wait3A_106 = tpu.memref_squeeze %dma_wait3A_105 : memref<1x80xi32, #tpu.memory_space<vmem>> -> memref<80xi32, #tpu.memory_space<vmem>>
    %dma_wait3A_107 = arith.constant 0 : i32
    %dma_wait3A_108 = arith.constant 0 : i32
    %dma_wait3A_109 = tpu.memref_slice %arg10[%dma_wait3A_107, %dma_wait3A_108] : memref<10240x128xf32, #tpu.memory_space<vmem_shared>> -> memref<10240x128xf32, #tpu.memory_space<vmem_shared>>
    %dma_wait3A_110 = tpu.memref_slice %arg13[%dma_wait3A_99] : memref<3x!tpu.dma_semaphore, #tpu.memory_space<semaphore_mem>> -> memref<1x!tpu.dma_semaphore, #tpu.memory_space<semaphore_mem>>
    %dma_wait3A_111 = tpu.memref_squeeze %dma_wait3A_110 : memref<1x!tpu.dma_semaphore, #tpu.memory_space<semaphore_mem>> -> memref<!tpu.dma_semaphore, #tpu.memory_space<semaphore_mem>>
    tpu.wait_indirect_dma semaphore(%dma_wait3A_111 : memref<!tpu.dma_semaphore, #tpu.memory_space<semaphore_mem>>) src(%dma_wait3A_103 : memref<80x128xf32, #tpu.memory_space<vmem>>) dst(%dma_wait3A_109 : memref<10240x128xf32, #tpu.memory_space<vmem_shared>>)
    %barrier3A_112 = arith.constant 0 : index
    tpu.barrier barrier_id(%barrier3A_112)
    "tpu.region"() ({
      %run_scoped3A = tpu.sem_alloc : memref<!tpu.dma_semaphore, #tpu.memory_space<semaphore_mem>>
      %dma_start3A_113 = arith.constant 0 : i32
      %dma_start3A_114 = tpu.memref_slice %arg6[%arg0, %mul3A_2, %dma_start3A_113] : memref<2x10240x128xf32, #tpu.memory_space<hbm>> -> memref<1x640x128xf32, #tpu.memory_space<hbm>>
      %dma_start3A_115 = tpu.memref_squeeze %dma_start3A_114 : memref<1x640x128xf32, #tpu.memory_space<hbm>> -> memref<640x128xf32, #tpu.memory_space<hbm>>
      %dma_start3A_116 = arith.constant 0 : i32
      %dma_start3A_117 = tpu.memref_slice %arg10[%mul3A_2, %dma_start3A_116] : memref<10240x128xf32, #tpu.memory_space<vmem_shared>> -> memref<640x128xf32, #tpu.memory_space<vmem_shared>>
      tpu.enqueue_dma source(%dma_start3A_117 : memref<640x128xf32, #tpu.memory_space<vmem_shared>>) target(%dma_start3A_115 : memref<640x128xf32, #tpu.memory_space<hbm>>) target_semaphore(%run_scoped3A : memref<!tpu.dma_semaphore, #tpu.memory_space<semaphore_mem>>)
      %dma_wait3A_118 = arith.constant 0 : i32
      %dma_wait3A_119 = tpu.memref_slice %arg6[%arg0, %mul3A_2, %dma_wait3A_118] : memref<2x10240x128xf32, #tpu.memory_space<hbm>> -> memref<1x640x128xf32, #tpu.memory_space<hbm>>
      %dma_wait3A_120 = tpu.memref_squeeze %dma_wait3A_119 : memref<1x640x128xf32, #tpu.memory_space<hbm>> -> memref<640x128xf32, #tpu.memory_space<hbm>>
      %dma_wait3A_121 = arith.constant 0 : i32
      %dma_wait3A_122 = tpu.memref_slice %arg10[%mul3A_2, %dma_wait3A_121] : memref<10240x128xf32, #tpu.memory_space<vmem_shared>> -> memref<640x128xf32, #tpu.memory_space<vmem_shared>>
      tpu.wait_dma2 semaphore(%run_scoped3A : memref<!tpu.dma_semaphore, #tpu.memory_space<semaphore_mem>>) src(%dma_wait3A_122 : memref<640x128xf32, #tpu.memory_space<vmem_shared>>) dst(%dma_wait3A_120 : memref<640x128xf32, #tpu.memory_space<hbm>>)
      tpu.yield
    }) : () -> ()
    return
  }
}

module attributes {stable_mosaic.version = 14 : i64} {
  func.func @_prep_body(%arg0: i32, %arg1: memref<512x128xf32, #tpu.memory_space<vmem>>, %arg2: memref<128x128xf32, #tpu.memory_space<vmem>>, %arg3: memref<32x512xf32, #tpu.memory_space<vmem>>, %arg4: memref<512x128xf32, #tpu.memory_space<vmem>>) attributes {dimension_semantics = [#tpu.dimension_semantics<arbitrary>], iteration_bounds = array<i64: 20>, scalar_prefetch = 0 : i64, scratch_operands = 0 : i64, tpu.core_type = #tpu.core_type<tc>, window_params = [{transform_indices = @transform_0, window_bounds = array<i64: 512, 128>}, {pipeline_mode = #tpu.pipeline_mode<synchronous>, transform_indices = @transform_1, window_bounds = array<i64: 128, 128>}, {transform_indices = @transform_2, window_bounds = array<i64: 32, 512>}, {transform_indices = @transform_3, window_bounds = array<i64: 512, 128>}]} {
    %get3A = arith.constant 0 : index
    %get3A_0 = arith.constant 0 : index
    %get3A_1 = vector.load %arg3[%get3A, %get3A_0] : memref<32x512xf32, #tpu.memory_space<vmem>>, vector<32x512xf32>
    %reduce_sum3A = arith.constant dense<0.000000e+00> : vector<512xf32>
    %reduce_sum3A_2 = vector.multi_reduction <add>, %get3A_1, %reduce_sum3A [0] : vector<32x512xf32> to vector<512xf32>
    %broadcast_in_dim3A = vector.shape_cast %reduce_sum3A_2 : vector<512xf32> to vector<512x1xf32>
    %add3A = arith.constant 1.000000e+00 : f32
    %add3A_3 = vector.broadcast %add3A : f32 to vector<512x1xf32>
    %add3A_4 = arith.addf %add3A_3, %broadcast_in_dim3A : vector<512x1xf32>
    %rsqrt3A = math.rsqrt %add3A_4 : vector<512x1xf32>
    %get3A_5 = arith.constant 0 : index
    %get3A_6 = arith.constant 0 : index
    %get3A_7 = vector.load %arg1[%get3A_5, %get3A_6] : memref<512x128xf32, #tpu.memory_space<vmem>>, vector<512x128xf32>
    %get3A_8 = arith.constant 0 : index
    %get3A_9 = arith.constant 0 : index
    %get3A_10 = vector.load %arg2[%get3A_8, %get3A_9] : memref<128x128xf32, #tpu.memory_space<vmem>>, vector<128x128xf32>
    %dot_general3A = arith.constant dense<0.000000e+00> : vector<512x128xf32>
    %dot_general3A_11 = tpu.matmul %get3A_7, %get3A_10, %dot_general3A {dimension_numbers = #tpu.dot_dimension_numbers<[1], [0], [0], [1], [0, 0, 1, 1], [], []>, transpose_lhs_hint = false} : vector<512x128xf32>, vector<128x128xf32>, vector<512x128xf32> -> vector<512x128xf32>
    %mul3A = vector.broadcast %rsqrt3A : vector<512x1xf32> to vector<512x128xf32>
    %mul3A_12 = arith.mulf %dot_general3A_11, %mul3A : vector<512x128xf32>
    %swap3A = arith.constant 0 : index
    %swap3A_13 = arith.constant 0 : index
    %swap3A_14 = vector.load %arg4[%swap3A, %swap3A_13] : memref<512x128xf32, #tpu.memory_space<vmem>>, vector<512x128xf32>
    tpu.vector_store %arg4[%swap3A, %swap3A_13], %mul3A_12 {strides = array<i32>} : memref<512x128xf32, #tpu.memory_space<vmem>>, vector<512x128xf32>,
    return
  }
  func.func @transform_0(%arg0: i32) -> (i32, i32) {
    %c0_i32 = arith.constant 0 : i32
    %c0_i32_0 = arith.constant 0 : i32
    return %arg0, %c0_i32 : i32, i32
  }
  func.func @transform_1(%arg0: i32) -> (i32, i32) {
    %c0_i32 = arith.constant 0 : i32
    %c0_i32_0 = arith.constant 0 : i32
    %c0_i32_1 = arith.constant 0 : i32
    return %c0_i32, %c0_i32_0 : i32, i32
  }
  func.func @transform_2(%arg0: i32) -> (i32, i32) {
    %c0_i32 = arith.constant 0 : i32
    %c0_i32_0 = arith.constant 0 : i32
    return %c0_i32, %arg0 : i32, i32
  }
  func.func @transform_3(%arg0: i32) -> (i32, i32) {
    %c0_i32 = arith.constant 0 : i32
    %c0_i32_0 = arith.constant 0 : i32
    return %arg0, %c0_i32 : i32, i32
  }
}

module attributes {stable_mosaic.version = 14 : i64} {
  func.func @_mid_body(%arg0: i32, %arg1: memref<2x512x128xf32, #tpu.memory_space<vmem>>, %arg2: memref<32x512xf32, #tpu.memory_space<vmem>>, %arg3: memref<1x128xf32, #tpu.memory_space<vmem>>, %arg4: memref<128x128xf32, #tpu.memory_space<vmem>>, %arg5: memref<512x128xf32, #tpu.memory_space<vmem>>) attributes {dimension_semantics = [#tpu.dimension_semantics<arbitrary>], iteration_bounds = array<i64: 20>, scalar_prefetch = 0 : i64, scratch_operands = 0 : i64, tpu.core_type = #tpu.core_type<tc>, window_params = [{transform_indices = @transform_0, window_bounds = array<i64: 2, 512, 128>}, {transform_indices = @transform_1, window_bounds = array<i64: 32, 512>}, {pipeline_mode = #tpu.pipeline_mode<synchronous>, transform_indices = @transform_2, window_bounds = array<i64: 1, 128>}, {pipeline_mode = #tpu.pipeline_mode<synchronous>, transform_indices = @transform_3, window_bounds = array<i64: 128, 128>}, {transform_indices = @transform_4, window_bounds = array<i64: 512, 128>}]} {
    %get3A = arith.constant 0 : index
    %get3A_0 = arith.constant 0 : index
    %get3A_1 = vector.load %arg2[%get3A, %get3A_0] : memref<32x512xf32, #tpu.memory_space<vmem>>, vector<32x512xf32>
    %reduce_sum3A = arith.constant dense<0.000000e+00> : vector<512xf32>
    %reduce_sum3A_2 = vector.multi_reduction <add>, %get3A_1, %reduce_sum3A [0] : vector<32x512xf32> to vector<512xf32>
    %broadcast_in_dim3A = vector.shape_cast %reduce_sum3A_2 : vector<512xf32> to vector<512x1xf32>
    %add3A = arith.constant 1.000000e+00 : f32
    %add3A_3 = vector.broadcast %add3A : f32 to vector<512x1xf32>
    %add3A_4 = arith.addf %add3A_3, %broadcast_in_dim3A : vector<512x1xf32>
    %rsqrt3A = math.rsqrt %add3A_4 : vector<512x1xf32>
    %get3A_5 = arith.constant 0 : index
    %get3A_6 = arith.constant 0 : index
    %get3A_7 = arith.constant 0 : index
    %get3A_8 = vector.load %arg1[%get3A_5, %get3A_6, %get3A_7] : memref<2x512x128xf32, #tpu.memory_space<vmem>>, vector<1x512x128xf32>
    %get3A_9 = vector.shape_cast %get3A_8 : vector<1x512x128xf32> to vector<512x128xf32>
    %get3A_10 = arith.constant 1 : index
    %get3A_11 = arith.constant 0 : index
    %get3A_12 = arith.constant 0 : index
    %get3A_13 = vector.load %arg1[%get3A_10, %get3A_11, %get3A_12] : memref<2x512x128xf32, #tpu.memory_space<vmem>>, vector<1x512x128xf32>
    %get3A_14 = vector.shape_cast %get3A_13 : vector<1x512x128xf32> to vector<512x128xf32>
    %add3A_15 = arith.addf %get3A_9, %get3A_14 : vector<512x128xf32>
    %mul3A = vector.broadcast %rsqrt3A : vector<512x1xf32> to vector<512x128xf32>
    %mul3A_16 = arith.mulf %mul3A, %add3A_15 : vector<512x128xf32>
    %get3A_17 = arith.constant 0 : index
    %get3A_18 = arith.constant 0 : index
    %get3A_19 = vector.load %arg3[%get3A_17, %get3A_18] : memref<1x128xf32, #tpu.memory_space<vmem>>, vector<1x128xf32>
    %add3A_20 = vector.broadcast %get3A_19 : vector<1x128xf32> to vector<512x128xf32>
    %add3A_21 = arith.addf %mul3A_16, %add3A_20 : vector<512x128xf32>
    %max3A = arith.constant 0.000000e+00 : f32
    %max3A_22 = vector.broadcast %max3A : f32 to vector<512x128xf32>
    %max3A_23 = arith.maximumf %add3A_21, %max3A_22 : vector<512x128xf32>
    %get3A_24 = arith.constant 0 : index
    %get3A_25 = arith.constant 0 : index
    %get3A_26 = vector.load %arg4[%get3A_24, %get3A_25] : memref<128x128xf32, #tpu.memory_space<vmem>>, vector<128x128xf32>
    %dot_general3A = arith.constant dense<0.000000e+00> : vector<512x128xf32>
    %dot_general3A_27 = tpu.matmul %max3A_23, %get3A_26, %dot_general3A {dimension_numbers = #tpu.dot_dimension_numbers<[1], [0], [0], [1], [0, 0, 1, 1], [], []>, transpose_lhs_hint = false} : vector<512x128xf32>, vector<128x128xf32>, vector<512x128xf32> -> vector<512x128xf32>
    %mul3A_28 = vector.broadcast %rsqrt3A : vector<512x1xf32> to vector<512x128xf32>
    %mul3A_29 = arith.mulf %dot_general3A_27, %mul3A_28 : vector<512x128xf32>
    %swap3A = arith.constant 0 : index
    %swap3A_30 = arith.constant 0 : index
    %swap3A_31 = vector.load %arg5[%swap3A, %swap3A_30] : memref<512x128xf32, #tpu.memory_space<vmem>>, vector<512x128xf32>
    tpu.vector_store %arg5[%swap3A, %swap3A_30], %mul3A_29 {strides = array<i32>} : memref<512x128xf32, #tpu.memory_space<vmem>>, vector<512x128xf32>,
    return
  }
  func.func @transform_0(%arg0: i32) -> (i32, i32, i32) {
    %c0_i32 = arith.constant 0 : i32
    %c0_i32_0 = arith.constant 0 : i32
    %c0_i32_1 = arith.constant 0 : i32
    return %c0_i32, %arg0, %c0_i32_0 : i32, i32, i32
  }
  func.func @transform_1(%arg0: i32) -> (i32, i32) {
    %c0_i32 = arith.constant 0 : i32
    %c0_i32_0 = arith.constant 0 : i32
    return %c0_i32, %arg0 : i32, i32
  }
  func.func @transform_2(%arg0: i32) -> (i32, i32) {
    %c0_i32 = arith.constant 0 : i32
    %c0_i32_0 = arith.constant 0 : i32
    %c0_i32_1 = arith.constant 0 : i32
    return %c0_i32, %c0_i32_0 : i32, i32
  }
  func.func @transform_3(%arg0: i32) -> (i32, i32) {
    %c0_i32 = arith.constant 0 : i32
    %c0_i32_0 = arith.constant 0 : i32
    %c0_i32_1 = arith.constant 0 : i32
    return %c0_i32, %c0_i32_0 : i32, i32
  }
  func.func @transform_4(%arg0: i32) -> (i32, i32) {
    %c0_i32 = arith.constant 0 : i32
    %c0_i32_0 = arith.constant 0 : i32
    return %arg0, %c0_i32 : i32, i32
  }
}

module attributes {stable_mosaic.version = 14 : i64} {
  func.func @_final_body(%arg0: i32, %arg1: memref<2x512x128xf32, #tpu.memory_space<vmem>>, %arg2: memref<32x512xf32, #tpu.memory_space<vmem>>, %arg3: memref<1x128xf32, #tpu.memory_space<vmem>>, %arg4: memref<512x128xf32, #tpu.memory_space<vmem>>) attributes {dimension_semantics = [#tpu.dimension_semantics<arbitrary>], iteration_bounds = array<i64: 20>, scalar_prefetch = 0 : i64, scratch_operands = 0 : i64, tpu.core_type = #tpu.core_type<tc>, window_params = [{transform_indices = @transform_0, window_bounds = array<i64: 2, 512, 128>}, {transform_indices = @transform_1, window_bounds = array<i64: 32, 512>}, {pipeline_mode = #tpu.pipeline_mode<synchronous>, transform_indices = @transform_2, window_bounds = array<i64: 1, 128>}, {transform_indices = @transform_3, window_bounds = array<i64: 512, 128>}]} {
    %get3A = arith.constant 0 : index
    %get3A_0 = arith.constant 0 : index
    %get3A_1 = vector.load %arg2[%get3A, %get3A_0] : memref<32x512xf32, #tpu.memory_space<vmem>>, vector<32x512xf32>
    %reduce_sum3A = arith.constant dense<0.000000e+00> : vector<512xf32>
    %reduce_sum3A_2 = vector.multi_reduction <add>, %get3A_1, %reduce_sum3A [0] : vector<32x512xf32> to vector<512xf32>
    %broadcast_in_dim3A = vector.shape_cast %reduce_sum3A_2 : vector<512xf32> to vector<512x1xf32>
    %add3A = arith.constant 1.000000e+00 : f32
    %add3A_3 = vector.broadcast %add3A : f32 to vector<512x1xf32>
    %add3A_4 = arith.addf %add3A_3, %broadcast_in_dim3A : vector<512x1xf32>
    %rsqrt3A = math.rsqrt %add3A_4 : vector<512x1xf32>
    %get3A_5 = arith.constant 0 : index
    %get3A_6 = arith.constant 0 : index
    %get3A_7 = arith.constant 0 : index
    %get3A_8 = vector.load %arg1[%get3A_5, %get3A_6, %get3A_7] : memref<2x512x128xf32, #tpu.memory_space<vmem>>, vector<1x512x128xf32>
    %get3A_9 = vector.shape_cast %get3A_8 : vector<1x512x128xf32> to vector<512x128xf32>
    %get3A_10 = arith.constant 1 : index
    %get3A_11 = arith.constant 0 : index
    %get3A_12 = arith.constant 0 : index
    %get3A_13 = vector.load %arg1[%get3A_10, %get3A_11, %get3A_12] : memref<2x512x128xf32, #tpu.memory_space<vmem>>, vector<1x512x128xf32>
    %get3A_14 = vector.shape_cast %get3A_13 : vector<1x512x128xf32> to vector<512x128xf32>
    %add3A_15 = arith.addf %get3A_9, %get3A_14 : vector<512x128xf32>
    %mul3A = vector.broadcast %rsqrt3A : vector<512x1xf32> to vector<512x128xf32>
    %mul3A_16 = arith.mulf %mul3A, %add3A_15 : vector<512x128xf32>
    %get3A_17 = arith.constant 0 : index
    %get3A_18 = arith.constant 0 : index
    %get3A_19 = vector.load %arg3[%get3A_17, %get3A_18] : memref<1x128xf32, #tpu.memory_space<vmem>>, vector<1x128xf32>
    %add3A_20 = vector.broadcast %get3A_19 : vector<1x128xf32> to vector<512x128xf32>
    %add3A_21 = arith.addf %mul3A_16, %add3A_20 : vector<512x128xf32>
    %swap3A = arith.constant 0 : index
    %swap3A_22 = arith.constant 0 : index
    %swap3A_23 = vector.load %arg4[%swap3A, %swap3A_22] : memref<512x128xf32, #tpu.memory_space<vmem>>, vector<512x128xf32>
    tpu.vector_store %arg4[%swap3A, %swap3A_22], %add3A_21 {strides = array<i32>} : memref<512x128xf32, #tpu.memory_space<vmem>>, vector<512x128xf32>,
    return
  }
  func.func @transform_0(%arg0: i32) -> (i32, i32, i32) {
    %c0_i32 = arith.constant 0 : i32
    %c0_i32_0 = arith.constant 0 : i32
    %c0_i32_1 = arith.constant 0 : i32
    return %c0_i32, %arg0, %c0_i32_0 : i32, i32, i32
  }
  func.func @transform_1(%arg0: i32) -> (i32, i32) {
    %c0_i32 = arith.constant 0 : i32
    %c0_i32_0 = arith.constant 0 : i32
    return %c0_i32, %arg0 : i32, i32
  }
  func.func @transform_2(%arg0: i32) -> (i32, i32) {
    %c0_i32 = arith.constant 0 : i32
    %c0_i32_0 = arith.constant 0 : i32
    %c0_i32_1 = arith.constant 0 : i32
    return %c0_i32, %c0_i32_0 : i32, i32
  }
  func.func @transform_3(%arg0: i32) -> (i32, i32) {
    %c0_i32 = arith.constant 0 : i32
    %c0_i32_0 = arith.constant 0 : i32
    return %arg0, %c0_i32 : i32, i32
  }
}

</mosaic_0001>

<sc_bundles>
// kernel: kernel.11.cloned.1.call-start
scs
__scs_entry_jumppad:
0x0: {  	(pc) =	sbr.rel $0x88, $3  }
0x1: {  	(tag) =	ssettag $0x0;
	lr =	simm.s32 $0x1  }
0x2: {  	[smem:$0x3F9B] =	sst lr;
	_ =	strace $0xD0000000  }
0x3: {  	_ = 	snop  }
0x4: {  	_ = 	snop  }
0x5: {  	_ = 	snop  }
0x6: {  	_ = 	snop  }
0x7: {  	_ = 	snop  }
__scs_overlays_trampoline_lowered:
0x8: {  	[smem:$0x3FAA] =	sst s0  }
0x9: {  	[smem:$0x3FAB] =	sst s1  }
0xa: {  	[smem:$0x3FAC] =	sst s2  }
0xb: {  	[smem:$0x3FAD] =	sst s3  }
0xc: {  	[smem:$0x3FAE] =	sst s4  }
0xd: {  	[smem:$0x3FAF] =	sst s5  }
0xe: {  	[smem:$0x3FB0] =	sst s6  }
0xf: {  	[smem:$0x3FB1] =	sst s7  }
0x10: {  	[smem:$0x3FB2] =	sst s8  }
0x11: {  	[smem:$0x3FB3] =	sst s9;
	s0 =	simm.s32 @!p0 $0x0  }
0x12: {  	s1 =	sld [smem:$0x3F99];
	s0 =	simm.s32 @p0 $0x1  }
0x13: {  	[smem:$0x3FB4] =	sst s0;
	s0 =	simm.s32 @!p1 $0x0  }
0x14: {  	s2 =	sld [smem:$0x3F98];
	s0 =	simm.s32 @p1 $0x1  }
0x15: {  	[smem:$0x3FB5] =	sst s0;
	s0 =	simm.s32 @!p2 $0x0  }
0x16: {  	s3 =	sld [smem:$0x3FDB];
	s0 =	simm.s32 @p2 $0x1  }
0x17: {  	s4 =	simm.s32 $0x1BF5;
	[smem:$0x3FB7] =	sst s0  }
0x18: {  	s0 =	sld [smem:$0x3F9A];
	_ =	swait.ge [sflag:s4], $0x0  }
0x19: {  	s7 =	sld [smem:$0x3F9B]  }
0x1a: {  	s8 =	sadd.s32 $0xFFFFE003, lr  }
0x1b: {  	s9 =	sadd.s32 $0xFFFFFEF7, lr;
	s5 =	simm.s32 $0xFFFFFFFF;
	p2 =	slt.u32 s8, $0xFFFFF086  }
0x1c: {  	p1 =	slt.u32 s9, $0xF7A;
	s5 =	simm.s32 @!p2 $0x0  }
0x1d: {  	s5 =	simm.s32 @p1 $0x1;
	p0 =	seq.s32 s7, s2  }
0x1e: {  	s7 =	smul.u32 @!p0 $0xF7A, s2;
	p2 =	seq.s32 @!p0 s5, $0x0  }
0x1f: {  	s9 =	smul.u32 $0xF7A, s1;
	s8 =	simm.s32 @!p0 $0x1BF5;
	p2 =	por !p2, p0  }
0x20: {  	[sflag:s8] =	ssyncset.s32 @!p0 $0xFFFFF086;
	s6 =	sadd.s32 @!p0 s3, s7;
	s7 =	simm.s32 @!p0 $0x108  }
0x21: {  	s3 =	sadd.s32 s3, s9;
	s6 =	sadd.s32 @!p0 $0x88, s6;
	s7 =	simm.s32 @p2 $0x1082  }
0x22: {  	[simem:s7], [sflag:s8] =	dma.local @!p0 [hbm:s6], $0xF7A  }
0x23: {  	s9 =	sor.u32 $0xD0000000, s2;
	s6 =	simm.s32 $0x108;
	_ =	swait.ge @!p0 [sflag:s8], $0x0  }
0x24: {  	s3 =	sadd.s32 $0x88, s3;
	s6 =	simm.s32 @!p1 $0x1082;
	[sflag:s4] =	ssyncset.s32 $0xFFFFF086  }
0x25: {  	[simem:s6], [sflag:s4] =	dma.local [hbm:s3], $0xF7A  }
0x26: {  	[smem:$0x3F9B] =	sst s1;
	(tag) =	ssettag s2;
	_ =	strace s9  }
0x27: {  	s1 =	sld [smem:$0x3FAB]  }
0x28: {  	s2 =	sld [smem:$0x3FAC]  }
0x29: {  	s4 =	sld [smem:$0x3FAE]  }
0x2a: {  	p0 =	seq.s32 s5, $0x0;
	s5 =	sld [smem:$0x3FAF]  }
0x2b: {  	s6 =	sld [smem:$0x3FB0]  }
0x2c: {  	s7 =	sld [smem:$0x3FB1]  }
0x2d: {  	s3 =	simm.s32 $0x108;
	s8 =	sld [smem:$0x3FB2]  }
0x2e: {  	s3 =	simm.s32 @!p0 $0x1082;
	s9 =	sld [smem:$0x3FB3]  }
0x2f: {  	lr =	sadd.s32 s0, s3;
	s0 =	sld [smem:$0x3FAA]  }
0x30: {  	s3 =	sld [smem:$0x3FAD]  }
0x31: {  	[smem:$0x3FB6] =	sst s10  }
0x32: {  	s10 =	sld [smem:$0x3FB4];
	_ =	sdelay $0x3  }
0x33: {  	p0 =	seq.s32 s10, $0x1;
	s10 =	sld [smem:$0x3FB6];
	_ =	sdelay $0x3  }
0x34: {  	[smem:$0x3FB6] =	sst s10  }
0x35: {  	s10 =	sld [smem:$0x3FB5];
	_ =	sdelay $0x3  }
0x36: {  	p1 =	seq.s32 s10, $0x1;
	s10 =	sld [smem:$0x3FB6];
	_ =	sdelay $0x3  }
0x37: {  	[smem:$0x3FB6] =	sst s10  }
0x38: {  	s10 =	sld [smem:$0x3FB7]  }
0x39: {  	_ = 	snop;
	(pc) =	sbr.ind lr, $3  }
0x3a: {  	_ = 	snop  }
0x3b: {  	_ = 	snop  }
0x3c: {  	p2 =	seq.s32 s10, $0x1;
	s10 =	sld [smem:$0x3FB6]  }
0x3d: {  	_ =	shalt  }
0x3e: {  	_ =	shalt  }
0x3f: {  	_ =	shalt  }
0x40: {  	_ =	shalt  }
0x41: {  	_ =	shalt  }
0x42: {  	_ =	shalt  }
0x43: {  	_ =	shalt  }
0x44: {  	_ =	shalt  }
0x45: {  	_ =	shalt  }
0x46: {  	_ =	shalt  }
0x47: {  	_ =	shalt  }
0x48: {  	_ =	shalt  }
0x49: {  	_ =	shalt  }
0x4a: {  	_ =	shalt  }
0x4b: {  	_ =	shalt  }
0x4c: {  	_ =	shalt  }
0x4d: {  	_ =	shalt  }
0x4e: {  	_ =	shalt  }
0x4f: {  	_ =	shalt  }
0x50: {  	_ =	shalt  }
0x51: {  	_ =	shalt  }
0x52: {  	_ =	shalt  }
0x53: {  	_ =	shalt  }
0x54: {  	_ =	shalt  }
0x55: {  	_ =	shalt  }
0x56: {  	_ =	shalt  }
0x57: {  	_ =	shalt  }
0x58: {  	_ =	shalt  }
0x59: {  	_ =	shalt  }
0x5a: {  	_ =	shalt  }
0x5b: {  	_ =	shalt  }
0x5c: {  	_ =	shalt  }
0x5d: {  	_ =	shalt  }
0x5e: {  	_ =	shalt  }
0x5f: {  	_ =	shalt  }
0x60: {  	_ =	shalt  }
0x61: {  	_ =	shalt  }
0x62: {  	_ =	shalt  }
0x63: {  	_ =	shalt  }
0x64: {  	_ =	shalt  }
0x65: {  	_ =	shalt  }
0x66: {  	_ =	shalt  }
0x67: {  	_ =	shalt  }
0x68: {  	_ =	shalt  }
0x69: {  	_ =	shalt  }
0x6a: {  	_ =	shalt  }
0x6b: {  	_ =	shalt  }
0x6c: {  	_ =	shalt  }
0x6d: {  	_ =	shalt  }
0x6e: {  	_ =	shalt  }
0x6f: {  	_ =	shalt  }
0x70: {  	_ =	shalt  }
0x71: {  	_ =	shalt  }
0x72: {  	_ =	shalt  }
0x73: {  	_ =	shalt  }
0x74: {  	_ =	shalt  }
0x75: {  	_ =	shalt  }
0x76: {  	_ =	shalt  }
0x77: {  	_ =	shalt  }
0x78: {  	_ =	shalt  }
0x79: {  	_ =	shalt  }
0x7a: {  	_ =	shalt  }
0x7b: {  	_ =	shalt  }
0x7c: {  	_ =	shalt  }
0x7d: {  	_ =	shalt  }
0x7e: {  	_ =	shalt  }
0x7f: {  	_ =	shalt  }
0x80: {  	_ =	shalt  }
0x81: {  	_ =	shalt  }
0x82: {  	_ =	shalt  }
0x83: {  	_ =	shalt  }
0x84: {  	_ =	shalt  }
0x85: {  	_ =	shalt  }
0x86: {  	_ =	shalt  }
0x87: {  	_ =	shalt  }
.Lfunc_end0:
.L_simem_size_0:
called_computation.1_lowered:
.L_overlay_start_0:
0x88: {  	s2 =	sld [smem:$0x3FD9]  }
0x89: {  	s3 =	sld [smem:$0x3FFE];
	_ =	sdelay $0x1  }
0x8a: {  	s1 =	srdreg.scid  }
0x8b: {  	s0 =	sand.u32 $0x1, s1  }
0x8c: {  	s16 =	sshll.u32 s0, $0xA;
	s2 =	sadd.s32 s3, s2  }
0x8d: {  	s2 =	sadd.s32 s2, s16  }
0x8e: {  	[smem:$0x3FC2] =	sst s2  }
0x8f: {  	_ = 	snop  }
0x90: {  	(tm) =	ssettm $0x1  }
0x91: {  	s17 =	sld [smem:$0x3FFB];
	_ =	sdelay $0x3  }
0x92: {  	_ =	strace s17  }
0x93: {  	s2 =	sld [smem:$0x3FFC];
	_ =	sdelay $0x3  }
0x94: {  	_ =	strace s2  }
0x95: {  	s2 =	sld [smem:$0x3FFD];
	_ =	sdelay $0x3  }
0x96: {  	_ =	strace s2  }
0x97: {  	_ =	strace $0x8FFFFFFF  }
0x98: {  	s18 =	sld [smem:$0x3FDB];
	_ =	sdelay $0x1  }
0x99: {  	s19 =	simm.s32 $_scs_section_size  }
0x9a: {  	s4 =	simm.s32 $_size__tile_overlayer_lowered;
	s5 =	simm.s32 $_tile_overlayer_lowered  }
0x9b: {  	s22 =	simm.s32 $0x1BFF;
	s21 =	sshll.u32 s5, $0x1;
	s2 =	sadd.s32 s19, s18  }
0x9c: {  	s6 =	simm.s32 $0x0;
	s20 =	sshll.u32 s4, $0x1;
	s4 =	sadd.s32 s21, s2  }
0x9d: {  	[timem:s6], [sflag:s22] =	dma.local [hbm:s4], s20  }
0x9e: {  	_ =	swait.ge [sflag:s22], s20  }
0x9f: {  	s3 =	ssub.s32 $0x0, s20;
	[sflag:s22] =	ssyncset.done $0x0  }
0xa0: {  	[sflag:s22] =	ssyncadd.s32 s3;
	_ =	sdelay $0x1  }
0xa1: {  	s23 =	simm.s32 $0x1B8B  }
0xa2: {  	_ =	swait.ge [sflag:s23], $0x1  }
0xa3: {  	[sflag:s23] =	ssyncset.done $0x0  }
0xa4: {  	s25 =	simm.s32 $0x1B8E;
	s24 =	sld [smem:$0x3FFE];
	[sflag:s23] =	ssyncadd.s32 $0xFFFFFFFF  }
0xa5: {  	s26 =	simm.s32 $execute0_lowered;
	[smem:$0x3FD2] =	sst s25  }
0xa6: {  	s4 =	sshll.u32 s26, $0x1;
	_ =	strace $0x80000049;
	[dreg:$0x1] =	wrdreg $0xFFFFFFFF  }
0xa7: {  	s28 =	simm.s32 $_size_execute0_lowered;
	s2 =	sadd.s32 s2, s4;
	[dreg:$0x0] =	wrdreg $0x0  }
0xa8: {  	s4 =	sshll.u32 s28, $0x1;
	[dreg:$0x2] =	wrdreg s2  }
0xa9: {  	[dreg:$0x3] =	wrdreg s4  }
0xaa: {  	[dreg:$0x4] =	wrdreg $0xC0  }
0xab: {  	_ =	task [dreg:s6], $0x5FFFF  }
0xac: {  	[dreg:$0x1] =	wrdreg $0xFFFFFFFF  }
0xad: {  	[dreg:$0x0] =	wrdreg $0x60  }
0xae: {  	[dreg:$0x2] =	wrdreg s24  }
0xaf: {  	[dreg:$0x3] =	wrdreg $0xA1800  }
0xb0: {  	[dreg:$0x4] =	wrdreg $0x9  }
0xb1: {  	_ =	task.clear_ibuf [dreg:s6], $0x5FFFF;
	_ =	strace $0x90000049  }
0xb2: {  	s29 =	simm.s32 $0x9;
	_ =	strace $0x8000004B  }
0xb3: {  	_ =	swait.ge [sflag:s29], $0x1  }
0xb4: {  	[sflag:s29] =	ssyncadd.s32 $0xFFFFFFFF  }
0xb5: {  	_ =	strace $0x9000004B  }
0xb6: {  	_ =	sfence  }
0xb7: {  	s30 =	sld [smem:$0x0];
	_ =	sdelay $0x2  }
0xb8: {  	s31 =	sshll.u32 s1, $0xD;
	s1 =	sshrl.u32 s1, $0x2  }
0xb9: {  	s3 =	sand.u32 $0x4000, s31;
	s1 =	sadd.s32 s1, s30  }
0xba: {  	s0 =	sor.u32 s3, s0;
	s1 =	sshll.u32 s1, $0x11  }
0xbb: {  	s0 =	sor.u32 s1, s0  }
0xbc: {  	s0 =	sadd.s32 $0x8F2B, s0  }
0xbd: {  	[sflag:s0] =	ssyncadd.remote.s32 $0x1  }
0xbe: {  	_ =	sfence.sel $0xFFFF  }
0xbf: {  	[dreg:$0x0] =	wrdreg $0xFFFFFFFF;
	(pc) =	sbr.abs _section_cstart, $3  }
0xc0: {  	[dreg:$0x1] =	wrdreg $0xFFFFFFFF  }
0xc1: {  	_ =	task.clear_ibuf [dreg:s6], $0x2FFFF;
	_ =	strace $0x9FFFFFFF  }
0xc2: {  	(tm) =	ssettm $0x7FFFFFFF  }
0xc3: {  	_ =	shalt  }
tec
execute0_lowered:
.L_overlay_start_1:
0x0: {  	(tag) =	ssettag $0x1  }
0x1: {  	s0 =	srdreg.scid;
	s5 =	rddreg [dreg:$0x0]  }
0x2: {  	s15 =	stileid.u32;
	s2 =	rddreg [dreg:$0x1]  }
0x3: {  	s3 =	simm.s32 $0x0;
	s16 =	simm.s32 $0x50;
	s19 =	simm.s32 $0x5180  }
0x4: {  	s20 =	simm.s32 $0x9;
	s21 =	simm.s32 $0x7;
	s22 =	simm.s32 $0x8  }
0x5: {  	s23 =	simm.s32 $0x0;
	s0 =	sand.u32 $0x1, s0;
	s7 =	smul.u32 $0x14000, s15  }
0x6: {  	s1 =	sshll.u32 s15, $0x1;
	[smem:$0x7FF] =	sst s3;
	s10 =	smul.u32 $0x50000, s15  }
0x7: {  	s12 =	sadd.s32 $0x1E00, s5;
	s4 =	sadd.s32 $0x15A00, s5;
	s29 =	smul.u32 $0x4E20, s15  }
0x8: {  	s11 =	sadd.s32 $0x3DA00, s5;
	s30 =	smul.u32 $0x2800, s15;
	s31 =	sshll.u32 s15, $0x6  }
0x9: {  	s1 =	sor.u32 s0, s1;
	s6 =	smul.u32 $0x140000, s0;
	_ =	strace $0x8000004A  }
0xa: {  	s26 =	ssub.s32 $0x2, s0;
	p0 =	seq.s32 s0, $0x0;
	s0 =	smul.u32 $0x2710, s0  }
0xb: {  	s1 =	smul.u32 $0x2710, s1;
	s9 =	sshrl.u32 s26, $0x1;
	s28 =	sshrl.u32 s10, $0x2  }
0xc: {  	s11 =	smov.u32 @p0 s4;
	s6 =	sadd.s32 s7, s6;
	s9 =	ssub.s32 s26, s9  }
0xd: {  	s14 =	sadd.s32 s28, s2;
	s0 =	sadd.s32 s0, s29;
	s10 =	sadd.s32 s11, s30  }
0xe: {  	s11 =	sor.u32 $0x1C0A, s31;
	s1 =	sshrl.u32 s1, $0x3;
	s6 =	sshrl.u32 s6, $0x3  }
0xf: {  	s9 =	smax.u32 s9, $0x1;
	s0 =	sadd.s32 $0xA0, s0;
	s8 =	sadd.s32 s1, s5  }
0x10: {  	s13 =	sadd.s32 s6, s5;
	s5 =	sadd.s32 s12, s1;
	s0 =	sshrl.u32 s0, $0x3  }
0x11: {  	s6 =	sadd.s32 $0xBC00, s8;
	s7 =	sadd.s32 $0xA, s5;
	s8 =	sadd.s32 $0x65A00, s13  }
0x12: {  	s12 =	sadd.s32 s0, s12;
	s13 =	sshrl.u32 s14, $0x3;
	s14 =	simm.s32 $0xA  }
.LBB2_1:
0x13: {  	[spmem:s13], [sflag:s11] =	dma.local [hbm:s10], $0x2800  }
0x14: {  	_ =	swait.ge [sflag:s14], $0x2800  }
0x15: {  	[sflag:s14] =	ssyncset.done $0x0  }
0x16: {  	[sflag:s14] =	ssyncadd.s32 $0xFFFFD800  }
0x17: {  	[tilespmem:s3], [sflag:$0xA] =	stream.linear.gather [hbm4b:s6+s3], $0x2710, $0x38;
	[tilespmem:$0x1E180] =	vst v63  }
0x18: {  	_ =	swait.ge [sflag:s14], $0x2710  }
0x19: {  	[sflag:s14] =	ssyncset.done $0x0  }
0x1a: {  	[sflag:s14] =	ssyncadd.s32 $0xFFFFD8F0  }
0x1b: {  	s0 =	simm.s32 $0x2780;
	[bflag:$0x0] =	sbarrier.arrive $0xFFFF  }
0x1c: {  	[tilespmem:s0], [sflag:$0x4] =	stream.linear.gather [hbm4b:s5+s3], $0x50, $0x38;
	[tilespmem:$0x1E180] =	vst v63  }
0x1d: {  	p0 =	por $0x0, $0x0;
	s0 =	simm.s32 $0x2  }
0x1e: {  	s1 =	simm.s32 $0x2980;
	s0 =	smul.u32 @!p0 $0xAB, s0  }
0x1f: {  	[tilespmem:s1], [sflag:$0x1] =	stream.indirect.gather [hbm4b:s4+s16], $0x80, s3, s16, $0xb8;
	[tilespmem:$0x1E180] =	vst v63  }
0x20: {  	s15 =	simm.s32 $0x2800;
	s0 =	sshrl.u32 @!p0 s0, $0x9  }
0x21: {  	[tilespmem:s15], [sflag:$0x5] =	stream.linear.gather [hbm4b:s7+s3], $0x50, $0x38;
	[tilespmem:$0x1E180] =	vst v63  }
0x22: {  	s0 =	sand.u32 @!p0 $0x7F, s0;
	s15 =	smul.u32 $0xAB, s3  }
0x23: {  	s0 =	smul.u32 @!p0 $0x3, s0  }
0x24: {  	[tilespmem:s19], [sflag:$0x2] =	stream.indirect.gather [hbm4b:s4+s16], $0x80, s16, s16, $0xb8;
	[tilespmem:$0x1E180] =	vst v63  }
0x25: {  	p1 =	por @!p0 $0x1, $0x1;
	s24 =	simm.s32 @!p0 $0x50;
	s15 =	sshrl.u32 s15, $0x9  }
0x26: {  	s28 =	simm.s32 @!p0 $0x0;
	s0 =	ssub.s32 @!p0 $0x2, s0;
	s15 =	sand.u32 $0x7F, s15  }
0x27: {  	p1 =	por p1, p0;
	s0 =	sand.u32 @!p0 $0xFF, s0;
	s15 =	smul.u32 $0x3, s15  }
0x28: {  	s1 =	simm.s32 $0xA0;
	s25 =	sadd.s32 @!p1 $0x7, s0;
	s26 =	smul.u32 @!p0 $0xA000, s0  }
0x29: {  	s29 =	sshll.u32 @!p0 s0, $0x7;
	_ =	swait.ge @!p1 [sflag:s25], $0x2800;
	s17 =	ssub.s32 $0x0, s15  }
0x2a: {  	[sflag:s25] =	ssyncset.done @!p1 $0x0;
	s26 =	sshrl.u32 @!p0 s26, $0x2;
	s30 =	sand.u32 $0xFF, s17  }
0x2b: {  	[sflag:s25] =	ssyncadd.s32 @!p1 $0xFFFFD800;
	s25 =	sadd.s32 @!p0 $0x2780, s29;
	s29 =	sadd.s32 @!p0 $0x4, s0  }
0x2c: {  	s0 =	sadd.s32 @!p0 $0x1, s0;
	s31 =	sshll.u32 s30, $0x7;
	s18 =	smul.u32 $0xA000, s30  }
0x2d: {  	[tilespmem:s25], [sflag:s29] =	stream.linear.gather @!p0 [hbm4b:s12+s28], $0x50, $0x38;
	[tilespmem:$0x1E180] =	vst v63  }
0x2e: {  	s25 =	sadd.s32 @!p0 $0x2980, s26;
	s28 =	simm.s32 $0x2;
	s26 =	sadd.s32 $0xA, s12  }
0x2f: {  	[tilespmem:s25], [sflag:s0] =	stream.indirect.gather @!p0 [hbm4b:s4+s24], $0x80, s1, s24, $0xb8;
	[tilespmem:$0x1E180] =	vst v63  }
0x30: {  	s29 =	simm.s32 $0x3;
	s24 =	simm.s32 $0x1;
	s0 =	sadd.s32 $0x4, s30  }
0x31: {  	s25 =	simm.s32 $0xF0;
	p0 =	por $0x0, $0x0;
	_ =	swait.ge [sflag:s0], $0x50  }
0x32: {  	s1 =	sadd.s32 $0x1, s30;
	s15 =	smul.u32 @!p0 $0xAB, s29;
	[sflag:s0] =	ssyncset.done $0x0  }
0x33: {  	p1 =	por @!p0 $0x0, $0x0;
	[sflag:s0] =	ssyncadd.s32 $0xFFFFFFB0;
	s0 =	sshrl.u32 s18, $0x2  }
.LBB2_2:
0x34: {  	s15 =	sshrl.u32 @!p0 s15, $0x9;
	_ =	swait.ge [sflag:s1], $0x2800  }
0x35: {  	s30 =	sadd.s32 $0x7, s30;
	s17 =	smov.u32 s24;
	s24 =	smov.u32 s28  }
0x36: {  	s31 =	sadd.s32 $0x2780, s31;
	s15 =	sand.u32 @!p0 $0x7F, s15;
	[sflag:s1] =	ssyncset.done $0x0  }
0x37: {  	s0 =	sadd.s32 $0x2980, s0;
	s15 =	smul.u32 @!p0 $0x3, s15;
	[sflag:s1] =	ssyncadd.s32 $0xFFFFD800  }
0x38: {  	[spmem:s2] =	stream.indirect.scatter.add.f32 [tilespmem:s0], [sflag:s30], $0x80, s31, s16, $0xb8;
	[tilespmem:$0x1E180] =	vst v63  }
0x39: {  	s28 =	sadd.s32 $0x1, s28;
	s0 =	smul.u32 $0xAB, s17;
	s1 =	ssub.s32 @!p0 s29, s15  }
0x3a: {  	p1 =	por p1, p0;
	s15 =	simm.s32 @!p0 $0x50;
	s1 =	sand.u32 @!p0 $0xFF, s1  }
0x3b: {  	s0 =	sshrl.u32 s0, $0x9;
	s29 =	sadd.s32 @!p1 $0x7, s1;
	s30 =	smul.u32 @!p0 $0xA000, s1  }
0x3c: {  	s31 =	simm.s32 @!p0 $0x0;
	s0 =	sand.u32 $0x7F, s0;
	_ =	swait.ge @!p1 [sflag:s29], $0x2800  }
0x3d: {  	s18 =	sshll.u32 @!p0 s1, $0x7;
	[sflag:s29] =	ssyncset.done @!p1 $0x0;
	s30 =	sshrl.u32 @!p0 s30, $0x2  }
0x3e: {  	s18 =	sadd.s32 @!p0 $0x2780, s18;
	[sflag:s29] =	ssyncadd.s32 @!p1 $0xFFFFD800;
	s29 =	sadd.s32 @!p0 $0x4, s1  }
0x3f: {  	[tilespmem:s18], [sflag:s29] =	stream.linear.gather @!p0 [hbm4b:s26+s31], $0x50, $0x38;
	[tilespmem:$0x1E180] =	vst v63  }
0x40: {  	s0 =	smul.u32 $0x3, s0;
	s1 =	sadd.s32 @!p0 $0x1, s1;
	s18 =	sadd.s32 @!p0 $0x2980, s30  }
0x41: {  	[tilespmem:s18], [sflag:s1] =	stream.indirect.gather @!p0 [hbm4b:s4+s15], $0x80, s25, s15, $0xb8;
	[tilespmem:$0x1E180] =	vst v63  }
0x42: {  	p2 =	sne.s32 s28, $0x7D;
	s0 =	ssub.s32 s17, s0;
	s26 =	sadd.s32 $0xA, s26  }
.Ltmp0:
0x43: {  	s30 =	sand.u32 $0xFF, s0;
	s25 =	sadd.s32 $0x50, s25;
	(pc) =	sbr.rel @p2 .LBB2_2-.Ltmp0, $4  }
0x44: {  	s0 =	sadd.s32 $0x4, s30;
	s31 =	sshll.u32 s30, $0x7;
	s1 =	smul.u32 $0xA000, s30  }
0x45: {  	s29 =	sadd.s32 $0x2, s24;
	p0 =	sgt.u32 s24, $0x7A;
	_ =	swait.ge [sflag:s0], $0x50  }
0x46: {  	s15 =	smul.u32 @!p0 $0xAB, s29;
	p1 =	seq.s32 @!p0 s24, $0x0;
	[sflag:s0] =	ssyncset.done $0x0  }
0x47: {  	[sflag:s0] =	ssyncadd.s32 $0xFFFFFFB0;
	s0 =	sshrl.u32 s1, $0x2;
	s1 =	sadd.s32 $0x1, s30  }
0x48: {  	s15 =	sshrl.u32 @!p0 s15, $0x9;
	_ =	swait.ge [sflag:s1], $0x2800;
	s17 =	sadd.s32 $0x7, s30  }
0x49: {  	s18 =	sadd.s32 $0x2780, s31;
	s15 =	sand.u32 @!p0 $0x7F, s15;
	[sflag:s1] =	ssyncset.done $0x0  }
0x4a: {  	s0 =	sadd.s32 $0x2980, s0;
	s15 =	smul.u32 @!p0 $0x3, s15;
	[sflag:s1] =	ssyncadd.s32 $0xFFFFD800  }
0x4b: {  	[spmem:s2] =	stream.indirect.scatter.add.f32 [tilespmem:s0], [sflag:s17], $0x80, s18, s16, $0xb8;
	[tilespmem:$0x1E180] =	vst v63  }
0x4c: {  	s18 =	smul.u32 $0xAB, s24;
	s1 =	ssub.s32 @!p0 s29, s15  }
0x4d: {  	p1 =	por p1, p0;
	s1 =	sand.u32 @!p0 $0xFF, s1  }
0x4e: {  	s0 =	sshrl.u32 s18, $0x9;
	s17 =	sadd.s32 @!p1 $0x7, s1  }
0x4f: {  	s0 =	sand.u32 $0x7F, s0;
	_ =	swait.ge @!p1 [sflag:s17], $0x2800  }
0x50: {  	s28 =	simm.s32 @!p0 $0x0;
	s0 =	smul.u32 $0x3, s0;
	[sflag:s17] =	ssyncset.done @!p1 $0x0  }
0x51: {  	s18 =	smul.u32 @!p0 $0xA000, s1;
	s29 =	sshll.u32 @!p0 s1, $0x7;
	[sflag:s17] =	ssyncadd.s32 @!p1 $0xFFFFD800  }
0x52: {  	s17 =	sadd.s32 @!p0 $0x2780, s29;
	s29 =	sadd.s32 @!p0 $0x4, s1;
	s0 =	ssub.s32 s24, s0  }
0x53: {  	[tilespmem:s17], [sflag:s29] =	stream.linear.gather @!p0 [hbm4b:s26+s28], $0x50, $0x38;
	[tilespmem:$0x1E180] =	vst v63  }
0x54: {  	s15 =	simm.s32 @!p0 $0x50;
	s18 =	sshrl.u32 @!p0 s18, $0x2;
	s0 =	sand.u32 $0xFF, s0  }
0x55: {  	s1 =	sadd.s32 @!p0 $0x1, s1;
	s17 =	sadd.s32 @!p0 $0x2980, s18;
	s28 =	sadd.s32 $0x4, s0  }
0x56: {  	[tilespmem:s17], [sflag:s1] =	stream.indirect.gather @!p0 [hbm4b:s4+s15], $0x80, s25, s15, $0xb8;
	[tilespmem:$0x1E180] =	vst v63  }
0x57: {  	_ =	swait.ge [sflag:s28], $0x50  }
0x58: {  	[sflag:s28] =	ssyncset.done $0x0  }
0x59: {  	s29 =	smul.u32 $0xA000, s0;
	s30 =	sadd.s32 $0x1, s0;
	[sflag:s28] =	ssyncadd.s32 $0xFFFFFFB0  }
0x5a: {  	s31 =	sshll.u32 s0, $0x7;
	_ =	swait.ge [sflag:s30], $0x2800  }
0x5b: {  	s0 =	sadd.s32 $0x7, s0;
	s15 =	sshrl.u32 s29, $0x2;
	[sflag:s30] =	ssyncset.done $0x0  }
0x5c: {  	s17 =	sadd.s32 $0x2780, s31;
	s15 =	sadd.s32 $0x2980, s15;
	[sflag:s30] =	ssyncadd.s32 $0xFFFFD800  }
0x5d: {  	[spmem:s2] =	stream.indirect.scatter.add.f32 [tilespmem:s15], [sflag:s0], $0x80, s17, s16, $0xb8;
	[tilespmem:$0x1E180] =	vst v63  }
0x5e: {  	_ =	swait.ge [sflag:s20], $0x2800  }
0x5f: {  	[sflag:s20] =	ssyncset.done $0x0  }
0x60: {  	[sflag:s20] =	ssyncadd.s32 $0xFFFFD800  }
0x61: {  	_ =	swait.ge [sflag:s21], $0x2800  }
0x62: {  	[sflag:s21] =	ssyncset.done $0x0  }
0x63: {  	[sflag:s21] =	ssyncadd.s32 $0xFFFFD800  }
0x64: {  	_ =	swait.ge [sflag:s22], $0x2800  }
0x65: {  	s23 =	sadd.s32 $0x1, s23;
	[sflag:s22] =	ssyncset.done $0x0  }
0x66: {  	p0 =	sne.s32 s23, s9;
	[sflag:s22] =	ssyncadd.s32 $0xFFFFD800  }
.Ltmp1:
0x67: {  	[bflag:$0x0] =	sbarrier.arrive $0xFFFF;
	(pc) =	sbr.rel @p0 .LBB2_1-.Ltmp1, $4  }
0x68: {  	[hbm:s8], [sflag:s11] =	dma.local [spmem:s13], $0x2800  }
0x69: {  	_ =	swait.ge [sflag:s14], $0x2800  }
0x6a: {  	[sflag:s14] =	ssyncset.done $0x0  }
0x6b: {  	[sflag:s14] =	ssyncadd.s32 $0xFFFFD800  }
0x6c: {  	_ =	sfence.sel $0x180000  }
0x6d: {  	[bflag:$0x0] =	sbarrier.arrive $0xFFFF  }
0x6e: {  	_ =	strace $0x9000004A  }
0x6f: {  	s0 =	stileid.u32;
	[bflag:$0x2] =	sbarrier.arrive $0xFFFF  }
0x70: {  	p0 =	sne.s32 s0, $0x0;
	s0 =	rddreg [dreg:$0x2]  }
0x71: {  	s0 =	sadd.s32 @!p0 $0x100000, s0  }
0x72: {  	[sflag:s0] =	ssyncadd.tile.s32 @!p0 $0x1;
	_ =	shalt  }
.Lfunc_end2:
_tile_overlayer_lowered:
.L_overlay_start_2:
0x73: {  	(tag) =	ssettag $0x2  }
0x74: {  	s0 =	rddreg [dreg:$0x0];
	s2 =	stileid.u32  }
0x75: {  	s1 =	rddreg [dreg:$0x1];
	p0 =	sne.s32 s2, $0x0  }
0x76: {  	s3 =	rddreg [dreg:$0x2];
	[bflag:$0x3] =	sbarrier.arrive $0xFFFF;
	s2 =	simm.s32 @!p0 $0x1C0A  }
0x77: {  	[timem:s3], [sflag:s2] =	dma.local @!p0 [hbm:s0], s1  }
0x78: {  	s0 =	simm.s32 @!p0 $0xA  }
0x79: {  	_ =	swait.ge @!p0 [sflag:s0], s1  }
0x7a: {  	s1 =	ssub.s32 @!p0 $0x0, s1;
	[sflag:s0] =	ssyncset.done @!p0 $0x0  }
0x7b: {  	[sflag:s0] =	ssyncadd.s32 @!p0 s1  }
0x7c: {  	[bflag:$0x3] =	sbarrier.arrive $0xFFFF  }
0x7d: {  	_ =	shalt  }

// kernel: kernel.14.cloned.1.call-start
scs
__scs_entry_jumppad:
0x0: {  	(pc) =	sbr.rel $0x88, $3  }
0x1: {  	(tag) =	ssettag $0x0;
	lr =	simm.s32 $0x1  }
0x2: {  	[smem:$0x3F9B] =	sst lr;
	_ =	strace $0xD0000000  }
0x3: {  	_ = 	snop  }
0x4: {  	_ = 	snop  }
0x5: {  	_ = 	snop  }
0x6: {  	_ = 	snop  }
0x7: {  	_ = 	snop  }
__scs_overlays_trampoline_lowered:
0x8: {  	[smem:$0x3FAA] =	sst s0  }
0x9: {  	[smem:$0x3FAB] =	sst s1  }
0xa: {  	[smem:$0x3FAC] =	sst s2  }
0xb: {  	[smem:$0x3FAD] =	sst s3  }
0xc: {  	[smem:$0x3FAE] =	sst s4  }
0xd: {  	[smem:$0x3FAF] =	sst s5  }
0xe: {  	[smem:$0x3FB0] =	sst s6  }
0xf: {  	[smem:$0x3FB1] =	sst s7  }
0x10: {  	[smem:$0x3FB2] =	sst s8  }
0x11: {  	[smem:$0x3FB3] =	sst s9;
	s0 =	simm.s32 @!p0 $0x0  }
0x12: {  	s1 =	sld [smem:$0x3F99];
	s0 =	simm.s32 @p0 $0x1  }
0x13: {  	[smem:$0x3FB4] =	sst s0;
	s0 =	simm.s32 @!p1 $0x0  }
0x14: {  	s2 =	sld [smem:$0x3F98];
	s0 =	simm.s32 @p1 $0x1  }
0x15: {  	[smem:$0x3FB5] =	sst s0;
	s0 =	simm.s32 @!p2 $0x0  }
0x16: {  	s3 =	sld [smem:$0x3FDB];
	s0 =	simm.s32 @p2 $0x1  }
0x17: {  	s4 =	simm.s32 $0x1BF5;
	[smem:$0x3FB7] =	sst s0  }
0x18: {  	s0 =	sld [smem:$0x3F9A];
	_ =	swait.ge [sflag:s4], $0x0  }
0x19: {  	s7 =	sld [smem:$0x3F9B]  }
0x1a: {  	s8 =	sadd.s32 $0xFFFFE003, lr  }
0x1b: {  	s9 =	sadd.s32 $0xFFFFFEF7, lr;
	s5 =	simm.s32 $0xFFFFFFFF;
	p2 =	slt.u32 s8, $0xFFFFF086  }
0x1c: {  	p1 =	slt.u32 s9, $0xF7A;
	s5 =	simm.s32 @!p2 $0x0  }
0x1d: {  	s5 =	simm.s32 @p1 $0x1;
	p0 =	seq.s32 s7, s2  }
0x1e: {  	s7 =	smul.u32 @!p0 $0xF7A, s2;
	p2 =	seq.s32 @!p0 s5, $0x0  }
0x1f: {  	s9 =	smul.u32 $0xF7A, s1;
	s8 =	simm.s32 @!p0 $0x1BF5;
	p2 =	por !p2, p0  }
0x20: {  	[sflag:s8] =	ssyncset.s32 @!p0 $0xFFFFF086;
	s6 =	sadd.s32 @!p0 s3, s7;
	s7 =	simm.s32 @!p0 $0x108  }
0x21: {  	s3 =	sadd.s32 s3, s9;
	s6 =	sadd.s32 @!p0 $0x88, s6;
	s7 =	simm.s32 @p2 $0x1082  }
0x22: {  	[simem:s7], [sflag:s8] =	dma.local @!p0 [hbm:s6], $0xF7A  }
0x23: {  	s9 =	sor.u32 $0xD0000000, s2;
	s6 =	simm.s32 $0x108;
	_ =	swait.ge @!p0 [sflag:s8], $0x0  }
0x24: {  	s3 =	sadd.s32 $0x88, s3;
	s6 =	simm.s32 @!p1 $0x1082;
	[sflag:s4] =	ssyncset.s32 $0xFFFFF086  }
0x25: {  	[simem:s6], [sflag:s4] =	dma.local [hbm:s3], $0xF7A  }
0x26: {  	[smem:$0x3F9B] =	sst s1;
	(tag) =	ssettag s2;
	_ =	strace s9  }
0x27: {  	s1 =	sld [smem:$0x3FAB]  }
0x28: {  	s2 =	sld [smem:$0x3FAC]  }
0x29: {  	s4 =	sld [smem:$0x3FAE]  }
0x2a: {  	p0 =	seq.s32 s5, $0x0;
	s5 =	sld [smem:$0x3FAF]  }
0x2b: {  	s6 =	sld [smem:$0x3FB0]  }
0x2c: {  	s7 =	sld [smem:$0x3FB1]  }
0x2d: {  	s3 =	simm.s32 $0x108;
	s8 =	sld [smem:$0x3FB2]  }
0x2e: {  	s3 =	simm.s32 @!p0 $0x1082;
	s9 =	sld [smem:$0x3FB3]  }
0x2f: {  	lr =	sadd.s32 s0, s3;
	s0 =	sld [smem:$0x3FAA]  }
0x30: {  	s3 =	sld [smem:$0x3FAD]  }
0x31: {  	[smem:$0x3FB6] =	sst s10  }
0x32: {  	s10 =	sld [smem:$0x3FB4];
	_ =	sdelay $0x3  }
0x33: {  	p0 =	seq.s32 s10, $0x1;
	s10 =	sld [smem:$0x3FB6];
	_ =	sdelay $0x3  }
0x34: {  	[smem:$0x3FB6] =	sst s10  }
0x35: {  	s10 =	sld [smem:$0x3FB5];
	_ =	sdelay $0x3  }
0x36: {  	p1 =	seq.s32 s10, $0x1;
	s10 =	sld [smem:$0x3FB6];
	_ =	sdelay $0x3  }
0x37: {  	[smem:$0x3FB6] =	sst s10  }
0x38: {  	s10 =	sld [smem:$0x3FB7]  }
0x39: {  	_ = 	snop;
	(pc) =	sbr.ind lr, $3  }
0x3a: {  	_ = 	snop  }
0x3b: {  	_ = 	snop  }
0x3c: {  	p2 =	seq.s32 s10, $0x1;
	s10 =	sld [smem:$0x3FB6]  }
0x3d: {  	_ =	shalt  }
0x3e: {  	_ =	shalt  }
0x3f: {  	_ =	shalt  }
0x40: {  	_ =	shalt  }
0x41: {  	_ =	shalt  }
0x42: {  	_ =	shalt  }
0x43: {  	_ =	shalt  }
0x44: {  	_ =	shalt  }
0x45: {  	_ =	shalt  }
0x46: {  	_ =	shalt  }
0x47: {  	_ =	shalt  }
0x48: {  	_ =	shalt  }
0x49: {  	_ =	shalt  }
0x4a: {  	_ =	shalt  }
0x4b: {  	_ =	shalt  }
0x4c: {  	_ =	shalt  }
0x4d: {  	_ =	shalt  }
0x4e: {  	_ =	shalt  }
0x4f: {  	_ =	shalt  }
0x50: {  	_ =	shalt  }
0x51: {  	_ =	shalt  }
0x52: {  	_ =	shalt  }
0x53: {  	_ =	shalt  }
0x54: {  	_ =	shalt  }
0x55: {  	_ =	shalt  }
0x56: {  	_ =	shalt  }
0x57: {  	_ =	shalt  }
0x58: {  	_ =	shalt  }
0x59: {  	_ =	shalt  }
0x5a: {  	_ =	shalt  }
0x5b: {  	_ =	shalt  }
0x5c: {  	_ =	shalt  }
0x5d: {  	_ =	shalt  }
0x5e: {  	_ =	shalt  }
0x5f: {  	_ =	shalt  }
0x60: {  	_ =	shalt  }
0x61: {  	_ =	shalt  }
0x62: {  	_ =	shalt  }
0x63: {  	_ =	shalt  }
0x64: {  	_ =	shalt  }
0x65: {  	_ =	shalt  }
0x66: {  	_ =	shalt  }
0x67: {  	_ =	shalt  }
0x68: {  	_ =	shalt  }
0x69: {  	_ =	shalt  }
0x6a: {  	_ =	shalt  }
0x6b: {  	_ =	shalt  }
0x6c: {  	_ =	shalt  }
0x6d: {  	_ =	shalt  }
0x6e: {  	_ =	shalt  }
0x6f: {  	_ =	shalt  }
0x70: {  	_ =	shalt  }
0x71: {  	_ =	shalt  }
0x72: {  	_ =	shalt  }
0x73: {  	_ =	shalt  }
0x74: {  	_ =	shalt  }
0x75: {  	_ =	shalt  }
0x76: {  	_ =	shalt  }
0x77: {  	_ =	shalt  }
0x78: {  	_ =	shalt  }
0x79: {  	_ =	shalt  }
0x7a: {  	_ =	shalt  }
0x7b: {  	_ =	shalt  }
0x7c: {  	_ =	shalt  }
0x7d: {  	_ =	shalt  }
0x7e: {  	_ =	shalt  }
0x7f: {  	_ =	shalt  }
0x80: {  	_ =	shalt  }
0x81: {  	_ =	shalt  }
0x82: {  	_ =	shalt  }
0x83: {  	_ =	shalt  }
0x84: {  	_ =	shalt  }
0x85: {  	_ =	shalt  }
0x86: {  	_ =	shalt  }
0x87: {  	_ =	shalt  }
.Lfunc_end0:
.L_simem_size_0:
called_computation.2_lowered:
.L_overlay_start_0:
0x88: {  	s2 =	sld [smem:$0x3FD9]  }
0x89: {  	s3 =	sld [smem:$0x3FFE];
	_ =	sdelay $0x1  }
0x8a: {  	s1 =	srdreg.scid  }
0x8b: {  	s0 =	sand.u32 $0x1, s1  }
0x8c: {  	s16 =	sshll.u32 s0, $0xA;
	s2 =	sadd.s32 s3, s2  }
0x8d: {  	s2 =	sadd.s32 s2, s16  }
0x8e: {  	[smem:$0x3FC2] =	sst s2  }
0x8f: {  	_ = 	snop  }
0x90: {  	(tm) =	ssettm $0x1  }
0x91: {  	s17 =	sld [smem:$0x3FFB];
	_ =	sdelay $0x3  }
0x92: {  	_ =	strace s17  }
0x93: {  	s2 =	sld [smem:$0x3FFC];
	_ =	sdelay $0x3  }
0x94: {  	_ =	strace s2  }
0x95: {  	s2 =	sld [smem:$0x3FFD];
	_ =	sdelay $0x3  }
0x96: {  	_ =	strace s2  }
0x97: {  	_ =	strace $0x8FFFFFFF  }
0x98: {  	s18 =	sld [smem:$0x3FDB];
	_ =	sdelay $0x1  }
0x99: {  	s19 =	simm.s32 $_scs_section_size  }
0x9a: {  	s4 =	simm.s32 $_size__tile_overlayer_lowered;
	s5 =	simm.s32 $_tile_overlayer_lowered  }
0x9b: {  	s22 =	simm.s32 $0x1BFF;
	s21 =	sshll.u32 s5, $0x1;
	s2 =	sadd.s32 s19, s18  }
0x9c: {  	s6 =	simm.s32 $0x0;
	s20 =	sshll.u32 s4, $0x1;
	s4 =	sadd.s32 s21, s2  }
0x9d: {  	[timem:s6], [sflag:s22] =	dma.local [hbm:s4], s20  }
0x9e: {  	_ =	swait.ge [sflag:s22], s20  }
0x9f: {  	s3 =	ssub.s32 $0x0, s20;
	[sflag:s22] =	ssyncset.done $0x0  }
0xa0: {  	[sflag:s22] =	ssyncadd.s32 s3;
	_ =	sdelay $0x1  }
0xa1: {  	s23 =	simm.s32 $0x1B8B  }
0xa2: {  	_ =	swait.ge [sflag:s23], $0x1  }
0xa3: {  	[sflag:s23] =	ssyncset.done $0x0  }
0xa4: {  	s25 =	simm.s32 $0x1B8E;
	s24 =	sld [smem:$0x3FFE];
	[sflag:s23] =	ssyncadd.s32 $0xFFFFFFFF  }
0xa5: {  	s26 =	simm.s32 $execute0_lowered;
	[smem:$0x3FD2] =	sst s25  }
0xa6: {  	s4 =	sshll.u32 s26, $0x1;
	_ =	strace $0x8000004C;
	[dreg:$0x1] =	wrdreg $0xFFFFFFFF  }
0xa7: {  	s28 =	simm.s32 $_size_execute0_lowered;
	s2 =	sadd.s32 s2, s4;
	[dreg:$0x0] =	wrdreg $0x0  }
0xa8: {  	s4 =	sshll.u32 s28, $0x1;
	[dreg:$0x2] =	wrdreg s2  }
0xa9: {  	[dreg:$0x3] =	wrdreg s4  }
0xaa: {  	[dreg:$0x4] =	wrdreg $0xC0  }
0xab: {  	_ =	task [dreg:s6], $0x5FFFF  }
0xac: {  	[dreg:$0x1] =	wrdreg $0xFFFFFFFF  }
0xad: {  	[dreg:$0x0] =	wrdreg $0x60  }
0xae: {  	[dreg:$0x2] =	wrdreg s24  }
0xaf: {  	[dreg:$0x3] =	wrdreg $0xA1800  }
0xb0: {  	[dreg:$0x4] =	wrdreg $0x9  }
0xb1: {  	_ =	task.clear_ibuf [dreg:s6], $0x5FFFF;
	_ =	strace $0x9000004C  }
0xb2: {  	s29 =	simm.s32 $0x9;
	_ =	strace $0x8000004E  }
0xb3: {  	_ =	swait.ge [sflag:s29], $0x1  }
0xb4: {  	[sflag:s29] =	ssyncadd.s32 $0xFFFFFFFF  }
0xb5: {  	_ =	strace $0x9000004E  }
0xb6: {  	_ =	sfence  }
0xb7: {  	s30 =	sld [smem:$0x0];
	_ =	sdelay $0x2  }
0xb8: {  	s31 =	sshll.u32 s1, $0xD;
	s1 =	sshrl.u32 s1, $0x2  }
0xb9: {  	s3 =	sand.u32 $0x4000, s31;
	s1 =	sadd.s32 s1, s30  }
0xba: {  	s0 =	sor.u32 s3, s0;
	s1 =	sshll.u32 s1, $0x11  }
0xbb: {  	s0 =	sor.u32 s1, s0  }
0xbc: {  	s0 =	sadd.s32 $0x8F2B, s0  }
0xbd: {  	[sflag:s0] =	ssyncadd.remote.s32 $0x1  }
0xbe: {  	_ =	sfence.sel $0xFFFF  }
0xbf: {  	[dreg:$0x0] =	wrdreg $0xFFFFFFFF;
	(pc) =	sbr.abs _section_cstart, $3  }
0xc0: {  	[dreg:$0x1] =	wrdreg $0xFFFFFFFF  }
0xc1: {  	_ =	task.clear_ibuf [dreg:s6], $0x2FFFF;
	_ =	strace $0x9FFFFFFF  }
0xc2: {  	(tm) =	ssettm $0x7FFFFFFF  }
0xc3: {  	_ =	shalt  }
tec
execute0_lowered:
.L_overlay_start_1:
0x0: {  	(tag) =	ssettag $0x1  }
0x1: {  	s0 =	srdreg.scid;
	s5 =	rddreg [dreg:$0x0]  }
0x2: {  	s15 =	stileid.u32;
	s2 =	rddreg [dreg:$0x1]  }
0x3: {  	s3 =	simm.s32 $0x0;
	s16 =	simm.s32 $0x50;
	s19 =	simm.s32 $0x5180  }
0x4: {  	s20 =	simm.s32 $0x9;
	s21 =	simm.s32 $0x7;
	s22 =	simm.s32 $0x8  }
0x5: {  	s23 =	simm.s32 $0x0;
	s0 =	sand.u32 $0x1, s0;
	s7 =	smul.u32 $0x14000, s15  }
0x6: {  	s1 =	sshll.u32 s15, $0x1;
	[smem:$0x7FF] =	sst s3;
	s10 =	smul.u32 $0x50000, s15  }
0x7: {  	s12 =	sadd.s32 $0x1E00, s5;
	s4 =	sadd.s32 $0x15A00, s5;
	s29 =	smul.u32 $0x4E20, s15  }
0x8: {  	s11 =	sadd.s32 $0x3DA00, s5;
	s30 =	smul.u32 $0x2800, s15;
	s31 =	sshll.u32 s15, $0x6  }
0x9: {  	s1 =	sor.u32 s0, s1;
	s6 =	smul.u32 $0x140000, s0;
	_ =	strace $0x8000004D  }
0xa: {  	s26 =	ssub.s32 $0x2, s0;
	p0 =	seq.s32 s0, $0x0;
	s0 =	smul.u32 $0x2710, s0  }
0xb: {  	s1 =	smul.u32 $0x2710, s1;
	s9 =	sshrl.u32 s26, $0x1;
	s28 =	sshrl.u32 s10, $0x2  }
0xc: {  	s11 =	smov.u32 @p0 s4;
	s6 =	sadd.s32 s7, s6;
	s9 =	ssub.s32 s26, s9  }
0xd: {  	s14 =	sadd.s32 s28, s2;
	s0 =	sadd.s32 s0, s29;
	s10 =	sadd.s32 s11, s30  }
0xe: {  	s11 =	sor.u32 $0x1C0A, s31;
	s1 =	sshrl.u32 s1, $0x3;
	s6 =	sshrl.u32 s6, $0x3  }
0xf: {  	s9 =	smax.u32 s9, $0x1;
	s0 =	sadd.s32 $0xA0, s0;
	s8 =	sadd.s32 s1, s5  }
0x10: {  	s13 =	sadd.s32 s6, s5;
	s5 =	sadd.s32 s12, s1;
	s0 =	sshrl.u32 s0, $0x3  }
0x11: {  	s6 =	sadd.s32 $0xBC00, s8;
	s7 =	sadd.s32 $0xA, s5;
	s8 =	sadd.s32 $0x65A00, s13  }
0x12: {  	s12 =	sadd.s32 s0, s12;
	s13 =	sshrl.u32 s14, $0x3;
	s14 =	simm.s32 $0xA  }
.LBB2_1:
0x13: {  	[spmem:s13], [sflag:s11] =	dma.local [hbm:s10], $0x2800  }
0x14: {  	_ =	swait.ge [sflag:s14], $0x2800  }
0x15: {  	[sflag:s14] =	ssyncset.done $0x0  }
0x16: {  	[sflag:s14] =	ssyncadd.s32 $0xFFFFD800  }
0x17: {  	[tilespmem:s3], [sflag:$0xA] =	stream.linear.gather [hbm4b:s6+s3], $0x2710, $0x38;
	[tilespmem:$0x1E180] =	vst v63  }
0x18: {  	_ =	swait.ge [sflag:s14], $0x2710  }
0x19: {  	[sflag:s14] =	ssyncset.done $0x0  }
0x1a: {  	[sflag:s14] =	ssyncadd.s32 $0xFFFFD8F0  }
0x1b: {  	s0 =	simm.s32 $0x2780;
	[bflag:$0x0] =	sbarrier.arrive $0xFFFF  }
0x1c: {  	[tilespmem:s0], [sflag:$0x4] =	stream.linear.gather [hbm4b:s5+s3], $0x50, $0x38;
	[tilespmem:$0x1E180] =	vst v63  }
0x1d: {  	p0 =	por $0x0, $0x0;
	s0 =	simm.s32 $0x2  }
0x1e: {  	s1 =	simm.s32 $0x2980;
	s0 =	smul.u32 @!p0 $0xAB, s0  }
0x1f: {  	[tilespmem:s1], [sflag:$0x1] =	stream.indirect.gather [hbm4b:s4+s16], $0x80, s3, s16, $0xb8;
	[tilespmem:$0x1E180] =	vst v63  }
0x20: {  	s15 =	simm.s32 $0x2800;
	s0 =	sshrl.u32 @!p0 s0, $0x9  }
0x21: {  	[tilespmem:s15], [sflag:$0x5] =	stream.linear.gather [hbm4b:s7+s3], $0x50, $0x38;
	[tilespmem:$0x1E180] =	vst v63  }
0x22: {  	s0 =	sand.u32 @!p0 $0x7F, s0;
	s15 =	smul.u32 $0xAB, s3  }
0x23: {  	s0 =	smul.u32 @!p0 $0x3, s0  }
0x24: {  	[tilespmem:s19], [sflag:$0x2] =	stream.indirect.gather [hbm4b:s4+s16], $0x80, s16, s16, $0xb8;
	[tilespmem:$0x1E180] =	vst v63  }
0x25: {  	p1 =	por @!p0 $0x1, $0x1;
	s24 =	simm.s32 @!p0 $0x50;
	s15 =	sshrl.u32 s15, $0x9  }
0x26: {  	s28 =	simm.s32 @!p0 $0x0;
	s0 =	ssub.s32 @!p0 $0x2, s0;
	s15 =	sand.u32 $0x7F, s15  }
0x27: {  	p1 =	por p1, p0;
	s0 =	sand.u32 @!p0 $0xFF, s0;
	s15 =	smul.u32 $0x3, s15  }
0x28: {  	s1 =	simm.s32 $0xA0;
	s25 =	sadd.s32 @!p1 $0x7, s0;
	s26 =	smul.u32 @!p0 $0xA000, s0  }
0x29: {  	s29 =	sshll.u32 @!p0 s0, $0x7;
	_ =	swait.ge @!p1 [sflag:s25], $0x2800;
	s17 =	ssub.s32 $0x0, s15  }
0x2a: {  	[sflag:s25] =	ssyncset.done @!p1 $0x0;
	s26 =	sshrl.u32 @!p0 s26, $0x2;
	s30 =	sand.u32 $0xFF, s17  }
0x2b: {  	[sflag:s25] =	ssyncadd.s32 @!p1 $0xFFFFD800;
	s25 =	sadd.s32 @!p0 $0x2780, s29;
	s29 =	sadd.s32 @!p0 $0x4, s0  }
0x2c: {  	s0 =	sadd.s32 @!p0 $0x1, s0;
	s31 =	sshll.u32 s30, $0x7;
	s18 =	smul.u32 $0xA000, s30  }
0x2d: {  	[tilespmem:s25], [sflag:s29] =	stream.linear.gather @!p0 [hbm4b:s12+s28], $0x50, $0x38;
	[tilespmem:$0x1E180] =	vst v63  }
0x2e: {  	s25 =	sadd.s32 @!p0 $0x2980, s26;
	s28 =	simm.s32 $0x2;
	s26 =	sadd.s32 $0xA, s12  }
0x2f: {  	[tilespmem:s25], [sflag:s0] =	stream.indirect.gather @!p0 [hbm4b:s4+s24], $0x80, s1, s24, $0xb8;
	[tilespmem:$0x1E180] =	vst v63  }
0x30: {  	s29 =	simm.s32 $0x3;
	s24 =	simm.s32 $0x1;
	s0 =	sadd.s32 $0x4, s30  }
0x31: {  	s25 =	simm.s32 $0xF0;
	p0 =	por $0x0, $0x0;
	_ =	swait.ge [sflag:s0], $0x50  }
0x32: {  	s1 =	sadd.s32 $0x1, s30;
	s15 =	smul.u32 @!p0 $0xAB, s29;
	[sflag:s0] =	ssyncset.done $0x0  }
0x33: {  	p1 =	por @!p0 $0x0, $0x0;
	[sflag:s0] =	ssyncadd.s32 $0xFFFFFFB0;
	s0 =	sshrl.u32 s18, $0x2  }
.LBB2_2:
0x34: {  	s15 =	sshrl.u32 @!p0 s15, $0x9;
	_ =	swait.ge [sflag:s1], $0x2800  }
0x35: {  	s30 =	sadd.s32 $0x7, s30;
	s17 =	smov.u32 s24;
	s24 =	smov.u32 s28  }
0x36: {  	s31 =	sadd.s32 $0x2780, s31;
	s15 =	sand.u32 @!p0 $0x7F, s15;
	[sflag:s1] =	ssyncset.done $0x0  }
0x37: {  	s0 =	sadd.s32 $0x2980, s0;
	s15 =	smul.u32 @!p0 $0x3, s15;
	[sflag:s1] =	ssyncadd.s32 $0xFFFFD800  }
0x38: {  	[spmem:s2] =	stream.indirect.scatter.add.f32 [tilespmem:s0], [sflag:s30], $0x80, s31, s16, $0xb8;
	[tilespmem:$0x1E180] =	vst v63  }
0x39: {  	s28 =	sadd.s32 $0x1, s28;
	s0 =	smul.u32 $0xAB, s17;
	s1 =	ssub.s32 @!p0 s29, s15  }
0x3a: {  	p1 =	por p1, p0;
	s15 =	simm.s32 @!p0 $0x50;
	s1 =	sand.u32 @!p0 $0xFF, s1  }
0x3b: {  	s0 =	sshrl.u32 s0, $0x9;
	s29 =	sadd.s32 @!p1 $0x7, s1;
	s30 =	smul.u32 @!p0 $0xA000, s1  }
0x3c: {  	s31 =	simm.s32 @!p0 $0x0;
	s0 =	sand.u32 $0x7F, s0;
	_ =	swait.ge @!p1 [sflag:s29], $0x2800  }
0x3d: {  	s18 =	sshll.u32 @!p0 s1, $0x7;
	[sflag:s29] =	ssyncset.done @!p1 $0x0;
	s30 =	sshrl.u32 @!p0 s30, $0x2  }
0x3e: {  	s18 =	sadd.s32 @!p0 $0x2780, s18;
	[sflag:s29] =	ssyncadd.s32 @!p1 $0xFFFFD800;
	s29 =	sadd.s32 @!p0 $0x4, s1  }
0x3f: {  	[tilespmem:s18], [sflag:s29] =	stream.linear.gather @!p0 [hbm4b:s26+s31], $0x50, $0x38;
	[tilespmem:$0x1E180] =	vst v63  }
0x40: {  	s0 =	smul.u32 $0x3, s0;
	s1 =	sadd.s32 @!p0 $0x1, s1;
	s18 =	sadd.s32 @!p0 $0x2980, s30  }
0x41: {  	[tilespmem:s18], [sflag:s1] =	stream.indirect.gather @!p0 [hbm4b:s4+s15], $0x80, s25, s15, $0xb8;
	[tilespmem:$0x1E180] =	vst v63  }
0x42: {  	p2 =	sne.s32 s28, $0x7D;
	s0 =	ssub.s32 s17, s0;
	s26 =	sadd.s32 $0xA, s26  }
.Ltmp0:
0x43: {  	s30 =	sand.u32 $0xFF, s0;
	s25 =	sadd.s32 $0x50, s25;
	(pc) =	sbr.rel @p2 .LBB2_2-.Ltmp0, $4  }
0x44: {  	s0 =	sadd.s32 $0x4, s30;
	s31 =	sshll.u32 s30, $0x7;
	s1 =	smul.u32 $0xA000, s30  }
0x45: {  	s29 =	sadd.s32 $0x2, s24;
	p0 =	sgt.u32 s24, $0x7A;
	_ =	swait.ge [sflag:s0], $0x50  }
0x46: {  	s15 =	smul.u32 @!p0 $0xAB, s29;
	p1 =	seq.s32 @!p0 s24, $0x0;
	[sflag:s0] =	ssyncset.done $0x0  }
0x47: {  	[sflag:s0] =	ssyncadd.s32 $0xFFFFFFB0;
	s0 =	sshrl.u32 s1, $0x2;
	s1 =	sadd.s32 $0x1, s30  }
0x48: {  	s15 =	sshrl.u32 @!p0 s15, $0x9;
	_ =	swait.ge [sflag:s1], $0x2800;
	s17 =	sadd.s32 $0x7, s30  }
0x49: {  	s18 =	sadd.s32 $0x2780, s31;
	s15 =	sand.u32 @!p0 $0x7F, s15;
	[sflag:s1] =	ssyncset.done $0x0  }
0x4a: {  	s0 =	sadd.s32 $0x2980, s0;
	s15 =	smul.u32 @!p0 $0x3, s15;
	[sflag:s1] =	ssyncadd.s32 $0xFFFFD800  }
0x4b: {  	[spmem:s2] =	stream.indirect.scatter.add.f32 [tilespmem:s0], [sflag:s17], $0x80, s18, s16, $0xb8;
	[tilespmem:$0x1E180] =	vst v63  }
0x4c: {  	s18 =	smul.u32 $0xAB, s24;
	s1 =	ssub.s32 @!p0 s29, s15  }
0x4d: {  	p1 =	por p1, p0;
	s1 =	sand.u32 @!p0 $0xFF, s1  }
0x4e: {  	s0 =	sshrl.u32 s18, $0x9;
	s17 =	sadd.s32 @!p1 $0x7, s1  }
0x4f: {  	s0 =	sand.u32 $0x7F, s0;
	_ =	swait.ge @!p1 [sflag:s17], $0x2800  }
0x50: {  	s28 =	simm.s32 @!p0 $0x0;
	s0 =	smul.u32 $0x3, s0;
	[sflag:s17] =	ssyncset.done @!p1 $0x0  }
0x51: {  	s18 =	smul.u32 @!p0 $0xA000, s1;
	s29 =	sshll.u32 @!p0 s1, $0x7;
	[sflag:s17] =	ssyncadd.s32 @!p1 $0xFFFFD800  }
0x52: {  	s17 =	sadd.s32 @!p0 $0x2780, s29;
	s29 =	sadd.s32 @!p0 $0x4, s1;
	s0 =	ssub.s32 s24, s0  }
0x53: {  	[tilespmem:s17], [sflag:s29] =	stream.linear.gather @!p0 [hbm4b:s26+s28], $0x50, $0x38;
	[tilespmem:$0x1E180] =	vst v63  }
0x54: {  	s15 =	simm.s32 @!p0 $0x50;
	s18 =	sshrl.u32 @!p0 s18, $0x2;
	s0 =	sand.u32 $0xFF, s0  }
0x55: {  	s1 =	sadd.s32 @!p0 $0x1, s1;
	s17 =	sadd.s32 @!p0 $0x2980, s18;
	s28 =	sadd.s32 $0x4, s0  }
0x56: {  	[tilespmem:s17], [sflag:s1] =	stream.indirect.gather @!p0 [hbm4b:s4+s15], $0x80, s25, s15, $0xb8;
	[tilespmem:$0x1E180] =	vst v63  }
0x57: {  	_ =	swait.ge [sflag:s28], $0x50  }
0x58: {  	[sflag:s28] =	ssyncset.done $0x0  }
0x59: {  	s29 =	smul.u32 $0xA000, s0;
	s30 =	sadd.s32 $0x1, s0;
	[sflag:s28] =	ssyncadd.s32 $0xFFFFFFB0  }
0x5a: {  	s31 =	sshll.u32 s0, $0x7;
	_ =	swait.ge [sflag:s30], $0x2800  }
0x5b: {  	s0 =	sadd.s32 $0x7, s0;
	s15 =	sshrl.u32 s29, $0x2;
	[sflag:s30] =	ssyncset.done $0x0  }
0x5c: {  	s17 =	sadd.s32 $0x2780, s31;
	s15 =	sadd.s32 $0x2980, s15;
	[sflag:s30] =	ssyncadd.s32 $0xFFFFD800  }
0x5d: {  	[spmem:s2] =	stream.indirect.scatter.add.f32 [tilespmem:s15], [sflag:s0], $0x80, s17, s16, $0xb8;
	[tilespmem:$0x1E180] =	vst v63  }
0x5e: {  	_ =	swait.ge [sflag:s20], $0x2800  }
0x5f: {  	[sflag:s20] =	ssyncset.done $0x0  }
0x60: {  	[sflag:s20] =	ssyncadd.s32 $0xFFFFD800  }
0x61: {  	_ =	swait.ge [sflag:s21], $0x2800  }
0x62: {  	[sflag:s21] =	ssyncset.done $0x0  }
0x63: {  	[sflag:s21] =	ssyncadd.s32 $0xFFFFD800  }
0x64: {  	_ =	swait.ge [sflag:s22], $0x2800  }
0x65: {  	s23 =	sadd.s32 $0x1, s23;
	[sflag:s22] =	ssyncset.done $0x0  }
0x66: {  	p0 =	sne.s32 s23, s9;
	[sflag:s22] =	ssyncadd.s32 $0xFFFFD800  }
.Ltmp1:
0x67: {  	[bflag:$0x0] =	sbarrier.arrive $0xFFFF;
	(pc) =	sbr.rel @p0 .LBB2_1-.Ltmp1, $4  }
0x68: {  	[hbm:s8], [sflag:s11] =	dma.local [spmem:s13], $0x2800  }
0x69: {  	_ =	swait.ge [sflag:s14], $0x2800  }
0x6a: {  	[sflag:s14] =	ssyncset.done $0x0  }
0x6b: {  	[sflag:s14] =	ssyncadd.s32 $0xFFFFD800  }
0x6c: {  	_ =	sfence.sel $0x180000  }
0x6d: {  	[bflag:$0x0] =	sbarrier.arrive $0xFFFF  }
0x6e: {  	_ =	strace $0x9000004D  }
0x6f: {  	s0 =	stileid.u32;
	[bflag:$0x2] =	sbarrier.arrive $0xFFFF  }
0x70: {  	p0 =	sne.s32 s0, $0x0;
	s0 =	rddreg [dreg:$0x2]  }
0x71: {  	s0 =	sadd.s32 @!p0 $0x100000, s0  }
0x72: {  	[sflag:s0] =	ssyncadd.tile.s32 @!p0 $0x1;
	_ =	shalt  }
.Lfunc_end2:
_tile_overlayer_lowered:
.L_overlay_start_2:
0x73: {  	(tag) =	ssettag $0x2  }
0x74: {  	s0 =	rddreg [dreg:$0x0];
	s2 =	stileid.u32  }
0x75: {  	s1 =	rddreg [dreg:$0x1];
	p0 =	sne.s32 s2, $0x0  }
0x76: {  	s3 =	rddreg [dreg:$0x2];
	[bflag:$0x3] =	sbarrier.arrive $0xFFFF;
	s2 =	simm.s32 @!p0 $0x1C0A  }
0x77: {  	[timem:s3], [sflag:s2] =	dma.local @!p0 [hbm:s0], s1  }
0x78: {  	s0 =	simm.s32 @!p0 $0xA  }
0x79: {  	_ =	swait.ge @!p0 [sflag:s0], s1  }
0x7a: {  	s1 =	ssub.s32 @!p0 $0x0, s1;
	[sflag:s0] =	ssyncset.done @!p0 $0x0  }
0x7b: {  	[sflag:s0] =	ssyncadd.s32 @!p0 s1  }
0x7c: {  	[bflag:$0x3] =	sbarrier.arrive $0xFFFF  }
0x7d: {  	_ =	shalt  }

// kernel: kernel.8.cloned.1.call-start
scs
__scs_entry_jumppad:
0x0: {  	(pc) =	sbr.rel $0x88, $3  }
0x1: {  	(tag) =	ssettag $0x0;
	lr =	simm.s32 $0x1  }
0x2: {  	[smem:$0x3F9B] =	sst lr;
	_ =	strace $0xD0000000  }
0x3: {  	_ = 	snop  }
0x4: {  	_ = 	snop  }
0x5: {  	_ = 	snop  }
0x6: {  	_ = 	snop  }
0x7: {  	_ = 	snop  }
__scs_overlays_trampoline_lowered:
0x8: {  	[smem:$0x3FAA] =	sst s0  }
0x9: {  	[smem:$0x3FAB] =	sst s1  }
0xa: {  	[smem:$0x3FAC] =	sst s2  }
0xb: {  	[smem:$0x3FAD] =	sst s3  }
0xc: {  	[smem:$0x3FAE] =	sst s4  }
0xd: {  	[smem:$0x3FAF] =	sst s5  }
0xe: {  	[smem:$0x3FB0] =	sst s6  }
0xf: {  	[smem:$0x3FB1] =	sst s7  }
0x10: {  	[smem:$0x3FB2] =	sst s8  }
0x11: {  	[smem:$0x3FB3] =	sst s9;
	s0 =	simm.s32 @!p0 $0x0  }
0x12: {  	s1 =	sld [smem:$0x3F99];
	s0 =	simm.s32 @p0 $0x1  }
0x13: {  	[smem:$0x3FB4] =	sst s0;
	s0 =	simm.s32 @!p1 $0x0  }
0x14: {  	s2 =	sld [smem:$0x3F98];
	s0 =	simm.s32 @p1 $0x1  }
0x15: {  	[smem:$0x3FB5] =	sst s0;
	s0 =	simm.s32 @!p2 $0x0  }
0x16: {  	s3 =	sld [smem:$0x3FDB];
	s0 =	simm.s32 @p2 $0x1  }
0x17: {  	s4 =	simm.s32 $0x1BF5;
	[smem:$0x3FB7] =	sst s0  }
0x18: {  	s0 =	sld [smem:$0x3F9A];
	_ =	swait.ge [sflag:s4], $0x0  }
0x19: {  	s7 =	sld [smem:$0x3F9B]  }
0x1a: {  	s8 =	sadd.s32 $0xFFFFE003, lr  }
0x1b: {  	s9 =	sadd.s32 $0xFFFFFEF7, lr;
	s5 =	simm.s32 $0xFFFFFFFF;
	p2 =	slt.u32 s8, $0xFFFFF086  }
0x1c: {  	p1 =	slt.u32 s9, $0xF7A;
	s5 =	simm.s32 @!p2 $0x0  }
0x1d: {  	s5 =	simm.s32 @p1 $0x1;
	p0 =	seq.s32 s7, s2  }
0x1e: {  	s7 =	smul.u32 @!p0 $0xF7A, s2;
	p2 =	seq.s32 @!p0 s5, $0x0  }
0x1f: {  	s9 =	smul.u32 $0xF7A, s1;
	s8 =	simm.s32 @!p0 $0x1BF5;
	p2 =	por !p2, p0  }
0x20: {  	[sflag:s8] =	ssyncset.s32 @!p0 $0xFFFFF086;
	s6 =	sadd.s32 @!p0 s3, s7;
	s7 =	simm.s32 @!p0 $0x108  }
0x21: {  	s3 =	sadd.s32 s3, s9;
	s6 =	sadd.s32 @!p0 $0x88, s6;
	s7 =	simm.s32 @p2 $0x1082  }
0x22: {  	[simem:s7], [sflag:s8] =	dma.local @!p0 [hbm:s6], $0xF7A  }
0x23: {  	s9 =	sor.u32 $0xD0000000, s2;
	s6 =	simm.s32 $0x108;
	_ =	swait.ge @!p0 [sflag:s8], $0x0  }
0x24: {  	s3 =	sadd.s32 $0x88, s3;
	s6 =	simm.s32 @!p1 $0x1082;
	[sflag:s4] =	ssyncset.s32 $0xFFFFF086  }
0x25: {  	[simem:s6], [sflag:s4] =	dma.local [hbm:s3], $0xF7A  }
0x26: {  	[smem:$0x3F9B] =	sst s1;
	(tag) =	ssettag s2;
	_ =	strace s9  }
0x27: {  	s1 =	sld [smem:$0x3FAB]  }
0x28: {  	s2 =	sld [smem:$0x3FAC]  }
0x29: {  	s4 =	sld [smem:$0x3FAE]  }
0x2a: {  	p0 =	seq.s32 s5, $0x0;
	s5 =	sld [smem:$0x3FAF]  }
0x2b: {  	s6 =	sld [smem:$0x3FB0]  }
0x2c: {  	s7 =	sld [smem:$0x3FB1]  }
0x2d: {  	s3 =	simm.s32 $0x108;
	s8 =	sld [smem:$0x3FB2]  }
0x2e: {  	s3 =	simm.s32 @!p0 $0x1082;
	s9 =	sld [smem:$0x3FB3]  }
0x2f: {  	lr =	sadd.s32 s0, s3;
	s0 =	sld [smem:$0x3FAA]  }
0x30: {  	s3 =	sld [smem:$0x3FAD]  }
0x31: {  	[smem:$0x3FB6] =	sst s10  }
0x32: {  	s10 =	sld [smem:$0x3FB4];
	_ =	sdelay $0x3  }
0x33: {  	p0 =	seq.s32 s10, $0x1;
	s10 =	sld [smem:$0x3FB6];
	_ =	sdelay $0x3  }
0x34: {  	[smem:$0x3FB6] =	sst s10  }
0x35: {  	s10 =	sld [smem:$0x3FB5];
	_ =	sdelay $0x3  }
0x36: {  	p1 =	seq.s32 s10, $0x1;
	s10 =	sld [smem:$0x3FB6];
	_ =	sdelay $0x3  }
0x37: {  	[smem:$0x3FB6] =	sst s10  }
0x38: {  	s10 =	sld [smem:$0x3FB7]  }
0x39: {  	_ = 	snop;
	(pc) =	sbr.ind lr, $3  }
0x3a: {  	_ = 	snop  }
0x3b: {  	_ = 	snop  }
0x3c: {  	p2 =	seq.s32 s10, $0x1;
	s10 =	sld [smem:$0x3FB6]  }
0x3d: {  	_ =	shalt  }
0x3e: {  	_ =	shalt  }
0x3f: {  	_ =	shalt  }
0x40: {  	_ =	shalt  }
0x41: {  	_ =	shalt  }
0x42: {  	_ =	shalt  }
0x43: {  	_ =	shalt  }
0x44: {  	_ =	shalt  }
0x45: {  	_ =	shalt  }
0x46: {  	_ =	shalt  }
0x47: {  	_ =	shalt  }
0x48: {  	_ =	shalt  }
0x49: {  	_ =	shalt  }
0x4a: {  	_ =	shalt  }
0x4b: {  	_ =	shalt  }
0x4c: {  	_ =	shalt  }
0x4d: {  	_ =	shalt  }
0x4e: {  	_ =	shalt  }
0x4f: {  	_ =	shalt  }
0x50: {  	_ =	shalt  }
0x51: {  	_ =	shalt  }
0x52: {  	_ =	shalt  }
0x53: {  	_ =	shalt  }
0x54: {  	_ =	shalt  }
0x55: {  	_ =	shalt  }
0x56: {  	_ =	shalt  }
0x57: {  	_ =	shalt  }
0x58: {  	_ =	shalt  }
0x59: {  	_ =	shalt  }
0x5a: {  	_ =	shalt  }
0x5b: {  	_ =	shalt  }
0x5c: {  	_ =	shalt  }
0x5d: {  	_ =	shalt  }
0x5e: {  	_ =	shalt  }
0x5f: {  	_ =	shalt  }
0x60: {  	_ =	shalt  }
0x61: {  	_ =	shalt  }
0x62: {  	_ =	shalt  }
0x63: {  	_ =	shalt  }
0x64: {  	_ =	shalt  }
0x65: {  	_ =	shalt  }
0x66: {  	_ =	shalt  }
0x67: {  	_ =	shalt  }
0x68: {  	_ =	shalt  }
0x69: {  	_ =	shalt  }
0x6a: {  	_ =	shalt  }
0x6b: {  	_ =	shalt  }
0x6c: {  	_ =	shalt  }
0x6d: {  	_ =	shalt  }
0x6e: {  	_ =	shalt  }
0x6f: {  	_ =	shalt  }
0x70: {  	_ =	shalt  }
0x71: {  	_ =	shalt  }
0x72: {  	_ =	shalt  }
0x73: {  	_ =	shalt  }
0x74: {  	_ =	shalt  }
0x75: {  	_ =	shalt  }
0x76: {  	_ =	shalt  }
0x77: {  	_ =	shalt  }
0x78: {  	_ =	shalt  }
0x79: {  	_ =	shalt  }
0x7a: {  	_ =	shalt  }
0x7b: {  	_ =	shalt  }
0x7c: {  	_ =	shalt  }
0x7d: {  	_ =	shalt  }
0x7e: {  	_ =	shalt  }
0x7f: {  	_ =	shalt  }
0x80: {  	_ =	shalt  }
0x81: {  	_ =	shalt  }
0x82: {  	_ =	shalt  }
0x83: {  	_ =	shalt  }
0x84: {  	_ =	shalt  }
0x85: {  	_ =	shalt  }
0x86: {  	_ =	shalt  }
0x87: {  	_ =	shalt  }
.Lfunc_end0:
.L_simem_size_0:
called_computation_lowered:
.L_overlay_start_0:
0x88: {  	s2 =	sld [smem:$0x3FD9]  }
0x89: {  	s3 =	sld [smem:$0x3FFE];
	_ =	sdelay $0x1  }
0x8a: {  	s1 =	srdreg.scid  }
0x8b: {  	s0 =	sand.u32 $0x1, s1  }
0x8c: {  	s17 =	sshll.u32 s0, $0xA;
	s2 =	sadd.s32 s3, s2  }
0x8d: {  	s2 =	sadd.s32 s2, s17  }
0x8e: {  	[smem:$0x3FC2] =	sst s2  }
0x8f: {  	_ = 	snop  }
0x90: {  	s2 =	sld [smem:$0x3FD0];
	(tm) =	ssettm $0x1  }
0x91: {  	s18 =	sld [smem:$0x3FFB];
	_ =	sdelay $0x3  }
0x92: {  	_ =	strace s18  }
0x93: {  	s3 =	sld [smem:$0x3FFC];
	_ =	sdelay $0x3  }
0x94: {  	_ =	strace s3  }
0x95: {  	s3 =	sld [smem:$0x3FFD];
	_ =	sdelay $0x3  }
0x96: {  	_ =	strace s3  }
0x97: {  	_ =	strace $0x8FFFFFFF  }
0x98: {  	s19 =	sld [smem:$0x3FDB];
	_ =	sdelay $0x1  }
0x99: {  	s4 =	simm.s32 $_scs_section_size  }
0x9a: {  	s5 =	simm.s32 $_size__tile_overlayer_lowered;
	s6 =	simm.s32 $_tile_overlayer_lowered  }
0x9b: {  	s22 =	simm.s32 $0x1BFF;
	s21 =	sshll.u32 s6, $0x1;
	s3 =	sadd.s32 s4, s19  }
0x9c: {  	s7 =	simm.s32 $0x0;
	s20 =	sshll.u32 s5, $0x1;
	s5 =	sadd.s32 s21, s3  }
0x9d: {  	[timem:s7], [sflag:s22] =	dma.local [hbm:s5], s20  }
0x9e: {  	_ =	swait.ge [sflag:s22], s20  }
0x9f: {  	s4 =	ssub.s32 $0x0, s20;
	[sflag:s22] =	ssyncset.done $0x0  }
0xa0: {  	[sflag:s22] =	ssyncadd.s32 s4;
	_ =	sdelay $0x1  }
0xa1: {  	s23 =	simm.s32 $0x1B8B  }
0xa2: {  	_ =	swait.ge [sflag:s23], $0x1  }
0xa3: {  	[sflag:s23] =	ssyncset.done $0x0  }
0xa4: {  	s25 =	simm.s32 $0x1B8E;
	s24 =	sld [smem:$0x3FFE];
	[sflag:s23] =	ssyncadd.s32 $0xFFFFFFFF  }
0xa5: {  	s26 =	simm.s32 $execute0_lowered;
	[smem:$0x3FD2] =	sst s25  }
0xa6: {  	s5 =	sshll.u32 s26, $0x1;
	_ =	strace $0x80000046;
	[dreg:$0x1] =	wrdreg $0xFFFFFFFF  }
0xa7: {  	s28 =	simm.s32 $_size_execute0_lowered;
	s3 =	sadd.s32 s3, s5;
	[dreg:$0x0] =	wrdreg $0x0  }
0xa8: {  	s5 =	sshll.u32 s28, $0x1;
	[dreg:$0x2] =	wrdreg s3  }
0xa9: {  	[dreg:$0x3] =	wrdreg s5  }
0xaa: {  	[dreg:$0x4] =	wrdreg $0xC0  }
0xab: {  	_ =	task [dreg:s7], $0x5FFFF  }
0xac: {  	[dreg:$0x1] =	wrdreg $0xFFFFFFFF  }
0xad: {  	[dreg:$0x0] =	wrdreg $0x60  }
0xae: {  	[dreg:$0x2] =	wrdreg s24  }
0xaf: {  	[dreg:$0x3] =	wrdreg s2  }
0xb0: {  	[dreg:$0x4] =	wrdreg $0x9  }
0xb1: {  	_ =	task.clear_ibuf [dreg:s7], $0x5FFFF;
	_ =	strace $0x90000046  }
0xb2: {  	s29 =	simm.s32 $0x9;
	_ =	strace $0x80000048  }
0xb3: {  	_ =	swait.ge [sflag:s29], $0x1  }
0xb4: {  	[sflag:s29] =	ssyncadd.s32 $0xFFFFFFFF  }
0xb5: {  	_ =	strace $0x90000048  }
0xb6: {  	_ =	sfence  }
0xb7: {  	s30 =	sld [smem:$0x0];
	_ =	sdelay $0x2  }
0xb8: {  	s31 =	sshll.u32 s1, $0xD;
	s1 =	sshrl.u32 s1, $0x2  }
0xb9: {  	s3 =	sand.u32 $0x4000, s31;
	s1 =	sadd.s32 s1, s30  }
0xba: {  	s0 =	sor.u32 s3, s0;
	s1 =	sshll.u32 s1, $0x11  }
0xbb: {  	s0 =	sor.u32 s1, s0  }
0xbc: {  	s0 =	sadd.s32 $0x8F2B, s0  }
0xbd: {  	[sflag:s0] =	ssyncadd.remote.s32 $0x1  }
0xbe: {  	_ =	sfence.sel $0xFFFF  }
0xbf: {  	[dreg:$0x0] =	wrdreg $0xFFFFFFFF;
	(pc) =	sbr.abs _section_cstart, $3  }
0xc0: {  	[dreg:$0x1] =	wrdreg $0xFFFFFFFF  }
0xc1: {  	_ =	task.clear_ibuf [dreg:s7], $0x2FFFF;
	_ =	strace $0x9FFFFFFF  }
0xc2: {  	(tm) =	ssettm $0x7FFFFFFF  }
0xc3: {  	_ =	shalt  }
tec
execute0_lowered:
.L_overlay_start_1:
0x0: {  	(tag) =	ssettag $0x1  }
0x1: {  	s3 =	rddreg [dreg:$0x0];
	s1 =	srdreg.scid  }
0x2: {  	s0 =	stileid.u32;
	s5 =	rddreg [dreg:$0x1]  }
0x3: {  	s9 =	simm.s32 $0x80;
	s10 =	simm.s32 $0x400;
	s11 =	simm.s32 $0x0  }
0x4: {  	s4 =	sand.u32 $0x1, s1;
	s2 =	sshll.u32 s0, $0x1;
	s8 =	sshrl.u32 s0, $0x2  }
0x5: {  	s1 =	rddreg [dreg:$0x2];
	s6 =	sor.u32 s4, s2;
	s8 =	smul.u32 $0x14000, s8  }
0x6: {  	s2 =	simm.s32 $0x0;
	s4 =	ssub.s32 $0x2, s4;
	s7 =	smul.u32 $0x4E2, s6  }
0x7: {  	[smem:$0x7FF] =	sst s2;
	s6 =	sshll.u32 s6, $0x7;
	s31 =	sshrl.u32 s4, $0x1  }
0x8: {  	_ =	strace $0x80000047;
	s6 =	sand.u32 $0x380, s6;
	s7 =	sadd.s32 s7, s3  }
0x9: {  	s6 =	sor.u32 s8, s6;
	s3 =	sadd.s32 $0x15A00, s3;
	s8 =	ssub.s32 s4, s31  }
0xa: {  	s6 =	sshrl.u32 s6, $0x3;
	s4 =	sadd.s32 $0x1E00, s7;
	s7 =	simm.s32 $0x2780  }
0xb: {  	v0 =	vimm.f32 $1.000000000e+00;
	s5 =	sadd.s32 s5, s6;
	s6 =	smax.u32 s8, $0x1;
	s8 =	simm.s32 $0x1  }
.LBB2_1:
0xc: {  	[tilespmem:s7], [sflag:$0x1] =	stream.linear.gather [hbm4b:s3+s2], $0x2800, $0x38;
	[tilespmem:$0x4F80] =	vst v63  }
0xd: {  	_ =	swait.ge [sflag:s8], $0x2800  }
0xe: {  	[sflag:s8] =	ssyncset.done $0x0  }
0xf: {  	[sflag:s8] =	ssyncadd.s32 $0xFFFFD800  }
0x10: {  	[tilespmem:s2], [sflag:$0x1] =	stream.linear.gather [hbm4b:s4+s2], $0x2710, $0x38;
	[tilespmem:$0x4F80] =	vst v63  }
0x11: {  	_ =	swait.ge [sflag:s8], $0x2710  }
0x12: {  	[sflag:s8] =	ssyncset.done $0x0  }
0x13: {  	s13 =	simm.s32 $0x0;
	s12 =	simm.s32 $0x40;
	[sflag:s8] =	ssyncadd.s32 $0xFFFFD8F0  }
.LBB2_2:
0x14: {  	p0 =	sne.s32 s12, $0x9C00;
	v1 =	vld [tilespmem:s13+$0x0];
	_ =	sdelay $0x3  }
.Ltmp0:
0x15: {  	(pc) =	sbr.rel @p0 .LBB2_2-.Ltmp0, $2  }
0x16: {  	_ =	sdelay $0x2  }
0x17: {  	s13 =	sshra.s32 s12, $0x2;
	s12 =	sadd.s32 $0x40, s12;
	[tilespmem:v1+s7+$0x0] =	vst.idx.add.f32.msk $0xffff, v0  }
0x18: {  	v1 =	vld [tilespmem:s13+$0x0];
	_ =	sdelay $0x5  }
0x19: {  	s11 =	sadd.s32 $0x1, s11  }
0x1a: {  	p0 =	sne.s32 s11, s6  }
.Ltmp1:
0x1b: {  	[tilespmem:v1+s7+$0x0] =	vst.idx.add.f32.msk $0xffff, v0;
	(pc) =	sbr.rel @p0 .LBB2_1-.Ltmp1, $4  }
0x1c: {  	[hbm4b:s5+s9] =	stream.strided.scatter [tilespmem:s7], [sflag:$0x1], $0x2800, s10, s9, $0x38;
	[tilespmem:$0x4F80] =	vst v63  }
0x1d: {  	_ =	swait.ge [sflag:s8], $0x2800  }
0x1e: {  	[sflag:s8] =	ssyncset.done $0x0  }
0x1f: {  	[sflag:s8] =	ssyncadd.s32 $0xFFFFD800  }
0x20: {  	_ =	sfence.sel $0x180000  }
0x21: {  	[bflag:$0x0] =	sbarrier.arrive $0xFFFF  }
0x22: {  	p0 =	sne.s32 s0, $0x0;
	_ =	strace $0x90000047  }
0x23: {  	s0 =	sadd.s32 @!p0 $0x100000, s1;
	[bflag:$0x2] =	sbarrier.arrive $0xFFFF  }
0x24: {  	[sflag:s0] =	ssyncadd.tile.s32 @!p0 $0x1;
	_ =	shalt  }
.Lfunc_end2:
_tile_overlayer_lowered:
.L_overlay_start_2:
0x25: {  	(tag) =	ssettag $0x2  }
0x26: {  	s0 =	rddreg [dreg:$0x0];
	s2 =	stileid.u32  }
0x27: {  	s1 =	rddreg [dreg:$0x1];
	p0 =	sne.s32 s2, $0x0  }
0x28: {  	s3 =	rddreg [dreg:$0x2];
	[bflag:$0x3] =	sbarrier.arrive $0xFFFF;
	s2 =	simm.s32 @!p0 $0x1C01  }
0x29: {  	[timem:s3], [sflag:s2] =	dma.local @!p0 [hbm:s0], s1  }
0x2a: {  	s0 =	simm.s32 @!p0 $0x1  }
0x2b: {  	_ =	swait.ge @!p0 [sflag:s0], s1  }
0x2c: {  	s1 =	ssub.s32 @!p0 $0x0, s1;
	[sflag:s0] =	ssyncset.done @!p0 $0x0  }
0x2d: {  	[sflag:s0] =	ssyncadd.s32 @!p0 s1  }
0x2e: {  	[bflag:$0x3] =	sbarrier.arrive $0xFFFF  }
0x2f: {  	_ =	shalt  }

</sc_bundles>
